<compile_context>
chip_gen: v7x
topology: tpu7x:2x2x1
jax: 0.10.2.dev20260603
libtpu: 0.0.44.dev20260713+nightly
codegen_flags: <defaults>
</compile_context>

<pallas_src>
import functools

import jax
import jax.numpy as jnp
from jax import lax
from jax.experimental import pallas as pl
from jax.experimental.pallas import tpu as pltpu
from jax.experimental.pallas import tpu_sc as plsc

B = 16384
F = 64
N_ROWS = 1000000

_info = plsc.get_sparse_core_info()
NC = _info.num_cores
NS = _info.num_subcores
L = _info.num_lanes
NW = NC * NS
BPW = B // NW
CH = 128
NCH = BPW // CH

_mesh = plsc.VectorSubcoreMesh(core_axis_name="c", subcore_axis_name="s")


@functools.partial(
    pl.kernel,
    mesh=_mesh,
    compiler_params=pltpu.CompilerParams(
        needs_layout_passes=False, use_tc_tiling_on_sc=False),
    out_type=jax.ShapeDtypeStruct((B,), jnp.float32),
    scratch_types=[
        pltpu.VMEM((BPW,), jnp.int32),
        pltpu.VMEM((BPW,), jnp.int32),
        pltpu.VMEM((NCH, CH), jnp.int32),
        pltpu.VMEM((NCH, CH), jnp.int32),
        pltpu.VMEM((NCH, CH), jnp.float32),
        pltpu.VMEM((NCH, CH), jnp.float32),
        pltpu.VMEM((BPW,), jnp.float32),
        pltpu.SemaphoreType.DMA,
    ],
)
def _mf_sc(user_hbm, item_hbm, ufT_hbm, ifT_hbm, out_hbm,
           ubase, ibase, pu, pi, ue, ie, outv, sem):
    wid = lax.axis_index("s") * NC + lax.axis_index("c")

    pltpu.sync_copy(user_hbm.at[wid], ubase)
    pltpu.sync_copy(item_hbm.at[wid], ibase)

    def zero_body(j, _):
        outv[pl.ds(j * L, L)] = jnp.zeros((L,), jnp.float32)
        return 0

    lax.fori_loop(0, BPW // L, zero_body, 0)

    ufT0 = ufT_hbm.at[0]
    ifT0 = ifT_hbm.at[0]

    def c_body(c, _):
        coff = c * N_ROWS

        def idx_body(k, _):
            def idx_inner(p, _):
                sl = pl.ds(p * L, L)
                bsl = pl.ds(k * CH + p * L, L)
                pu[k, sl] = ubase[bsl] + coff
                pi[k, sl] = ibase[bsl] + coff
                return 0
            lax.fori_loop(0, CH // L, idx_inner, 0)
            return 0

        lax.fori_loop(0, NCH, idx_body, 0)

        copies = []
        for k in range(NCH):
            copies.append(pltpu.async_copy(ufT0.at[pu.at[k]], ue.at[k], sem))
            copies.append(pltpu.async_copy(ifT0.at[pi.at[k]], ie.at[k], sem))
        for cp in copies:
            cp.wait()

        def acc_body(k, _):
            def acc_inner(p, _):
                sl = pl.ds(p * L, L)
                osl = pl.ds(k * CH + p * L, L)
                outv[osl] = outv[osl] + ue[k, sl] * ie[k, sl]
                return 0
            lax.fori_loop(0, CH // L, acc_inner, 0)
            return 0

        lax.fori_loop(0, NCH, acc_body, 0)
        return 0

    lax.fori_loop(0, F, c_body, 0)

    pltpu.sync_copy(outv, out_hbm.at[pl.ds(wid * BPW, BPW)])


def kernel(user, item, user_factors, item_factors):
    user_r = user.astype(jnp.int32).reshape(NW, BPW)
    item_r = item.astype(jnp.int32).reshape(NW, BPW)
    return _mf_sc(user_r, item_r, user_factors.T, item_factors.T)

# --- scband reference (transcript-rebuilt; emitter-appended) ---
"""Pipeline reference for scband-mf-37623913513190 (READ-ONLY COPY).

The authoritative reference and input builder live on the scoring server;
editing this copy changes nothing except your own understanding.
"""

import jax, jax.numpy as jnp
import numpy as np

N_USERS = 1000000
N_ITEMS = 1000000
N_FACTORS = 64
BATCH = 16384

def setup_inputs(seed: int = 0) -> dict:
    key = jax.random.key(seed)
    k1, k2, k3, k4 = jax.random.split(key, 4)
    user = jax.random.randint(k1, (BATCH,), 0, N_USERS, dtype=jnp.int64) if jax.config.jax_enable_x64 else jax.random.randint(k1, (BATCH,), 0, N_USERS, dtype=jnp.int32)
    item = jax.random.randint(k2, (BATCH,), 0, N_ITEMS, dtype=jnp.int64) if jax.config.jax_enable_x64 else jax.random.randint(k2, (BATCH,), 0, N_ITEMS, dtype=jnp.int32)
    user_factors = jax.random.normal(k3, (N_USERS, N_FACTORS), dtype=jnp.float32)
    item_factors = jax.random.normal(k4, (N_ITEMS, N_FACTORS), dtype=jnp.float32)
    return {"user": user, "item": item, "user_factors": user_factors, "item_factors": item_factors}

def reference(user, item, user_factors, item_factors):
    # u_final = user_factors[user].unsqueeze(1) -> [B, 1, F]
    u_final = jnp.take(user_factors, user, axis=0)[:, None, :]
    # i_final = item_factors[item].unsqueeze(1) -> [B, 1, F]
    i_final = jnp.take(item_factors, item, axis=0)[:, None, :]
    # dropout with p=0.0 is identity
    # (u_final * i_final).sum(2).squeeze(1) -> [B]
    out = jnp.sum(u_final * i_final, axis=2)
    return jnp.squeeze(out, axis=1)

if __name__ == "__main__":
    import jax
    _d = setup_inputs()
    print(jax.jit(kernel)(*tuple(_d.values())))

</pallas_src>

<mosaic_0001>
#map = affine_map<(d0, d1) -> (0, 0)>
#map1 = affine_map<(d0, d1) -> (0)>
module attributes {stable_mosaic.version = 14 : i64} {
  func.func @_mf_sc(%arg0: i32, %arg1: i32, %arg2: memref<32x512xi32, #tpu.memory_space<hbm>>, %arg3: memref<32x512xi32, #tpu.memory_space<hbm>>, %arg4: memref<64x1000000xf32, #tpu.memory_space<hbm>>, %arg5: memref<64x1000000xf32, #tpu.memory_space<hbm>>, %arg6: memref<16384xf32, #tpu.memory_space<hbm>>, %arg7: memref<512xi32, #tpu.memory_space<vmem>>, %arg8: memref<512xi32, #tpu.memory_space<vmem>>, %arg9: memref<4x128xi32, #tpu.memory_space<vmem>>, %arg10: memref<4x128xi32, #tpu.memory_space<vmem>>, %arg11: memref<4x128xf32, #tpu.memory_space<vmem>>, %arg12: memref<4x128xf32, #tpu.memory_space<vmem>>, %arg13: memref<512xf32, #tpu.memory_space<vmem>>, %arg14: memref<!tpu.dma_semaphore, #tpu.memory_space<semaphore_mem>>) attributes {dimension_semantics = [#tpu.dimension_semantics<core_parallel>, #tpu.dimension_semantics<subcore_parallel>], iteration_bounds = array<i64: 2, 16>, scalar_prefetch = 0 : i64, scratch_operands = 8 : i64, tpu.core_type = #tpu.core_type<sc_vector_subcore>, window_params = [{transform_indices = #map}, {transform_indices = #map}, {transform_indices = #map}, {transform_indices = #map}, {transform_indices = #map1}]} {
    %mul3A = arith.constant 2 : i32
    %mul3A_0 = arith.muli %arg1, %mul3A : i32
    %add3A = arith.addi %mul3A_0, %arg0 : i32
    "tpu.region"() ({
      %run_scoped3A = tpu.sem_alloc : memref<!tpu.dma_semaphore, #tpu.memory_space<semaphore_mem>>
      %dma_start3A = arith.constant 0 : i32
      %dma_start3A_18 = tpu.memref_slice %arg2[%add3A, %dma_start3A] : memref<32x512xi32, #tpu.memory_space<hbm>> -> memref<1x512xi32, #tpu.memory_space<hbm>>
      %dma_start3A_19 = tpu.memref_squeeze %dma_start3A_18 : memref<1x512xi32, #tpu.memory_space<hbm>> -> memref<512xi32, #tpu.memory_space<hbm>>
      %dma_start3A_20 = arith.constant 0 : i32
      %dma_start3A_21 = tpu.memref_slice %arg2[%add3A, %dma_start3A_20] : memref<32x512xi32, #tpu.memory_space<hbm>> -> memref<1x512xi32, #tpu.memory_space<hbm>>
      %dma_start3A_22 = tpu.memref_squeeze %dma_start3A_21 : memref<1x512xi32, #tpu.memory_space<hbm>> -> memref<512xi32, #tpu.memory_space<hbm>>
      tpu.enqueue_dma source(%dma_start3A_22 : memref<512xi32, #tpu.memory_space<hbm>>) target(%arg7 : memref<512xi32, #tpu.memory_space<vmem>>) target_semaphore(%run_scoped3A : memref<!tpu.dma_semaphore, #tpu.memory_space<semaphore_mem>>)
      %dma_wait3A = arith.constant 0 : i32
      %dma_wait3A_23 = tpu.memref_slice %arg2[%add3A, %dma_wait3A] : memref<32x512xi32, #tpu.memory_space<hbm>> -> memref<1x512xi32, #tpu.memory_space<hbm>>
      %dma_wait3A_24 = tpu.memref_squeeze %dma_wait3A_23 : memref<1x512xi32, #tpu.memory_space<hbm>> -> memref<512xi32, #tpu.memory_space<hbm>>
      %dma_wait3A_25 = arith.constant 0 : i32
      %dma_wait3A_26 = tpu.memref_slice %arg2[%add3A, %dma_wait3A_25] : memref<32x512xi32, #tpu.memory_space<hbm>> -> memref<1x512xi32, #tpu.memory_space<hbm>>
      %dma_wait3A_27 = tpu.memref_squeeze %dma_wait3A_26 : memref<1x512xi32, #tpu.memory_space<hbm>> -> memref<512xi32, #tpu.memory_space<hbm>>
      tpu.wait_dma2 semaphore(%run_scoped3A : memref<!tpu.dma_semaphore, #tpu.memory_space<semaphore_mem>>) src(%dma_wait3A_27 : memref<512xi32, #tpu.memory_space<hbm>>) dst(%arg7 : memref<512xi32, #tpu.memory_space<vmem>>)
      tpu.yield
    }) : () -> ()
    "tpu.region"() ({
      %run_scoped3A = tpu.sem_alloc : memref<!tpu.dma_semaphore, #tpu.memory_space<semaphore_mem>>
      %dma_start3A = arith.constant 0 : i32
      %dma_start3A_18 = tpu.memref_slice %arg3[%add3A, %dma_start3A] : memref<32x512xi32, #tpu.memory_space<hbm>> -> memref<1x512xi32, #tpu.memory_space<hbm>>
      %dma_start3A_19 = tpu.memref_squeeze %dma_start3A_18 : memref<1x512xi32, #tpu.memory_space<hbm>> -> memref<512xi32, #tpu.memory_space<hbm>>
      %dma_start3A_20 = arith.constant 0 : i32
      %dma_start3A_21 = tpu.memref_slice %arg3[%add3A, %dma_start3A_20] : memref<32x512xi32, #tpu.memory_space<hbm>> -> memref<1x512xi32, #tpu.memory_space<hbm>>
      %dma_start3A_22 = tpu.memref_squeeze %dma_start3A_21 : memref<1x512xi32, #tpu.memory_space<hbm>> -> memref<512xi32, #tpu.memory_space<hbm>>
      tpu.enqueue_dma source(%dma_start3A_22 : memref<512xi32, #tpu.memory_space<hbm>>) target(%arg8 : memref<512xi32, #tpu.memory_space<vmem>>) target_semaphore(%run_scoped3A : memref<!tpu.dma_semaphore, #tpu.memory_space<semaphore_mem>>)
      %dma_wait3A = arith.constant 0 : i32
      %dma_wait3A_23 = tpu.memref_slice %arg3[%add3A, %dma_wait3A] : memref<32x512xi32, #tpu.memory_space<hbm>> -> memref<1x512xi32, #tpu.memory_space<hbm>>
      %dma_wait3A_24 = tpu.memref_squeeze %dma_wait3A_23 : memref<1x512xi32, #tpu.memory_space<hbm>> -> memref<512xi32, #tpu.memory_space<hbm>>
      %dma_wait3A_25 = arith.constant 0 : i32
      %dma_wait3A_26 = tpu.memref_slice %arg3[%add3A, %dma_wait3A_25] : memref<32x512xi32, #tpu.memory_space<hbm>> -> memref<1x512xi32, #tpu.memory_space<hbm>>
      %dma_wait3A_27 = tpu.memref_squeeze %dma_wait3A_26 : memref<1x512xi32, #tpu.memory_space<hbm>> -> memref<512xi32, #tpu.memory_space<hbm>>
      tpu.wait_dma2 semaphore(%run_scoped3A : memref<!tpu.dma_semaphore, #tpu.memory_space<semaphore_mem>>) src(%dma_wait3A_27 : memref<512xi32, #tpu.memory_space<hbm>>) dst(%arg8 : memref<512xi32, #tpu.memory_space<vmem>>)
      tpu.yield
    }) : () -> ()
    %scan3A = arith.constant 0 : i32
    %scan3A_1 = arith.constant 0 : i32
    %scan3A_2 = arith.constant 32 : i32
    %scan3A_3 = arith.addi %scan3A_1, %scan3A_2 : i32
    %scan3A_4 = arith.constant 1 : i32
    %scan3A_5 = scf.for %scan3A_18 = %scan3A_1 to %scan3A_3 step %scan3A_4 iter_args(%scan3A_19 = %scan3A) -> (i32)  : i32 {
      %broadcast_in_dim3A = arith.constant 0.000000e+00 : f32
      %broadcast_in_dim3A_20 = vector.broadcast %broadcast_in_dim3A : f32 to vector<16xf32>
      %mul3A_21 = arith.constant 16 : i32
      %mul3A_22 = arith.muli %scan3A_18, %mul3A_21 : i32
      %swap3A = arith.index_cast %mul3A_22 : i32 to index
      %swap3A_23 = tpu.vector_load %arg13[%swap3A] {strides = array<i32>} : memref<512xf32, #tpu.memory_space<vmem>>, vector<16xf32>,
      tpu.vector_store %arg13[%swap3A], %broadcast_in_dim3A_20 {strides = array<i32>} : memref<512xf32, #tpu.memory_space<vmem>>, vector<16xf32>,
      %scan3A_24 = arith.constant 0 : i32
      scf.yield %scan3A_24 : i32
    }
    %scan3A_6 = arith.constant 32 : i32
    %scan3A_7 = arith.constant 0 : i32
    %scan3A_8 = arith.constant 0 : i32
    %scan3A_9 = arith.constant 0 : i32
    %scan3A_10 = arith.constant 0 : i32
    %scan3A_11 = arith.constant 64 : i32
    %scan3A_12 = arith.addi %scan3A_10, %scan3A_11 : i32
    %scan3A_13 = arith.constant 1 : i32
    %scan3A_14 = scf.for %scan3A_18 = %scan3A_10 to %scan3A_12 step %scan3A_13 iter_args(%scan3A_19 = %scan3A_9) -> (i32)  : i32 {
      %mul3A_20 = arith.constant 1000000 : i32
      %mul3A_21 = arith.muli %scan3A_18, %mul3A_20 : i32
      %scan3A_22 = arith.constant 0 : i32
      %scan3A_23 = arith.constant 0 : i32
      %scan3A_24 = arith.constant 4 : i32
      %scan3A_25 = arith.addi %scan3A_23, %scan3A_24 : i32
      %scan3A_26 = arith.constant 1 : i32
      %scan3A_27 = scf.for %scan3A_243 = %scan3A_23 to %scan3A_25 step %scan3A_26 iter_args(%scan3A_244 = %scan3A_22) -> (i32)  : i32 {
        %scan3A_245 = arith.constant 0 : i32
        %scan3A_246 = arith.constant 0 : i32
        %scan3A_247 = arith.constant 8 : i32
        %scan3A_248 = arith.addi %scan3A_246, %scan3A_247 : i32
        %scan3A_249 = arith.constant 1 : i32
        %scan3A_250 = scf.for %scan3A_253 = %scan3A_246 to %scan3A_248 step %scan3A_249 iter_args(%scan3A_254 = %scan3A_245) -> (i32)  : i32 {
          %mul3A_255 = arith.constant 16 : i32
          %mul3A_256 = arith.muli %scan3A_253, %mul3A_255 : i32
          %mul3A_257 = arith.constant 128 : i32
          %mul3A_258 = arith.muli %scan3A_243, %mul3A_257 : i32
          %mul3A_259 = arith.constant 16 : i32
          %mul3A_260 = arith.muli %scan3A_253, %mul3A_259 : i32
          %add3A_261 = arith.addi %mul3A_258, %mul3A_260 : i32
          %get3A = arith.index_cast %add3A_261 : i32 to index
          %get3A_262 = tpu.vector_load %arg7[%get3A] {strides = array<i32>} : memref<512xi32, #tpu.memory_space<vmem>>, vector<16xi32>,
          %add3A_263 = vector.broadcast %mul3A_21 : i32 to vector<16xi32>
          %add3A_264 = arith.addi %get3A_262, %add3A_263 : vector<16xi32>
          %swap3A = arith.index_cast %scan3A_243 : i32 to index
          %swap3A_265 = arith.index_cast %mul3A_256 : i32 to index
          %swap3A_266 = tpu.vector_load %arg9[%swap3A, %swap3A_265] {strides = array<i32>} : memref<4x128xi32, #tpu.memory_space<vmem>>, vector<16xi32>,
          tpu.vector_store %arg9[%swap3A, %swap3A_265], %add3A_264 {strides = array<i32>} : memref<4x128xi32, #tpu.memory_space<vmem>>, vector<16xi32>,
          %get3A_267 = arith.index_cast %add3A_261 : i32 to index
          %get3A_268 = tpu.vector_load %arg8[%get3A_267] {strides = array<i32>} : memref<512xi32, #tpu.memory_space<vmem>>, vector<16xi32>,
          %add3A_269 = vector.broadcast %mul3A_21 : i32 to vector<16xi32>
          %add3A_270 = arith.addi %get3A_268, %add3A_269 : vector<16xi32>
          %swap3A_271 = arith.index_cast %scan3A_243 : i32 to index
          %swap3A_272 = arith.index_cast %mul3A_256 : i32 to index
          %swap3A_273 = tpu.vector_load %arg10[%swap3A_271, %swap3A_272] {strides = array<i32>} : memref<4x128xi32, #tpu.memory_space<vmem>>, vector<16xi32>,
          tpu.vector_store %arg10[%swap3A_271, %swap3A_272], %add3A_270 {strides = array<i32>} : memref<4x128xi32, #tpu.memory_space<vmem>>, vector<16xi32>,
          %scan3A_274 = arith.constant 0 : i32
          scf.yield %scan3A_274 : i32
        }
        %scan3A_251 = arith.constant 8 : i32
        %scan3A_252 = arith.constant 0 : i32
        scf.yield %scan3A_252 : i32
      }
      %scan3A_28 = arith.constant 4 : i32
      %dma_start3A = arith.constant 0 : i32
      %dma_start3A_29 = arith.constant 0 : i32
      %dma_start3A_30 = arith.constant 0 : i32
      %dma_start3A_31 = tpu.memref_slice %arg11[%dma_start3A_29, %dma_start3A_30] : memref<4x128xf32, #tpu.memory_space<vmem>> -> memref<1x128xf32, #tpu.memory_space<vmem>>
      %dma_start3A_32 = tpu.memref_squeeze %dma_start3A_31 : memref<1x128xf32, #tpu.memory_space<vmem>> -> memref<128xf32, #tpu.memory_space<vmem>>
      %dma_start3A_33 = arith.constant 0 : i32
      %dma_start3A_34 = tpu.memref_slice %arg9[%dma_start3A, %dma_start3A_33] : memref<4x128xi32, #tpu.memory_space<vmem>> -> memref<1x128xi32, #tpu.memory_space<vmem>>
      %dma_start3A_35 = tpu.memref_squeeze %dma_start3A_34 : memref<1x128xi32, #tpu.memory_space<vmem>> -> memref<128xi32, #tpu.memory_space<vmem>>
      %dma_start3A_36 = arith.constant 0 : i32
      %dma_start3A_37 = tpu.memref_slice %arg4[%scan3A_7, %dma_start3A_36] : memref<64x1000000xf32, #tpu.memory_space<hbm>> -> memref<1x1000000xf32, #tpu.memory_space<hbm>>
      %dma_start3A_38 = tpu.memref_squeeze %dma_start3A_37 : memref<1x1000000xf32, #tpu.memory_space<hbm>> -> memref<1000000xf32, #tpu.memory_space<hbm>>
      %dma_start3A_39 = arith.constant 0 : i32
      %dma_start3A_40 = tpu.memref_slice %dma_start3A_38[%dma_start3A_39] : memref<1000000xf32, #tpu.memory_space<hbm>> -> memref<1000000xf32, #tpu.memory_space<hbm>>
      tpu.enqueue_indirect_dma source(%dma_start3A_40 : memref<1000000xf32, #tpu.memory_space<hbm>>) target(%dma_start3A_32 : memref<128xf32, #tpu.memory_space<vmem>>) offsets(%dma_start3A_35 : memref<128xi32, #tpu.memory_space<vmem>>) semaphore(%arg14 : memref<!tpu.dma_semaphore, #tpu.memory_space<semaphore_mem>>)
      %dma_start3A_41 = arith.constant 0 : i32
      %dma_start3A_42 = arith.constant 0 : i32
      %dma_start3A_43 = arith.constant 0 : i32
      %dma_start3A_44 = tpu.memref_slice %arg12[%dma_start3A_42, %dma_start3A_43] : memref<4x128xf32, #tpu.memory_space<vmem>> -> memref<1x128xf32, #tpu.memory_space<vmem>>
      %dma_start3A_45 = tpu.memref_squeeze %dma_start3A_44 : memref<1x128xf32, #tpu.memory_space<vmem>> -> memref<128xf32, #tpu.memory_space<vmem>>
      %dma_start3A_46 = arith.constant 0 : i32
      %dma_start3A_47 = tpu.memref_slice %arg10[%dma_start3A_41, %dma_start3A_46] : memref<4x128xi32, #tpu.memory_space<vmem>> -> memref<1x128xi32, #tpu.memory_space<vmem>>
      %dma_start3A_48 = tpu.memref_squeeze %dma_start3A_47 : memref<1x128xi32, #tpu.memory_space<vmem>> -> memref<128xi32, #tpu.memory_space<vmem>>
      %dma_start3A_49 = arith.constant 0 : i32
      %dma_start3A_50 = tpu.memref_slice %arg5[%scan3A_8, %dma_start3A_49] : memref<64x1000000xf32, #tpu.memory_space<hbm>> -> memref<1x1000000xf32, #tpu.memory_space<hbm>>
      %dma_start3A_51 = tpu.memref_squeeze %dma_start3A_50 : memref<1x1000000xf32, #tpu.memory_space<hbm>> -> memref<1000000xf32, #tpu.memory_space<hbm>>
      %dma_start3A_52 = arith.constant 0 : i32
      %dma_start3A_53 = tpu.memref_slice %dma_start3A_51[%dma_start3A_52] : memref<1000000xf32, #tpu.memory_space<hbm>> -> memref<1000000xf32, #tpu.memory_space<hbm>>
      tpu.enqueue_indirect_dma source(%dma_start3A_53 : memref<1000000xf32, #tpu.memory_space<hbm>>) target(%dma_start3A_45 : memref<128xf32, #tpu.memory_space<vmem>>) offsets(%dma_start3A_48 : memref<128xi32, #tpu.memory_space<vmem>>) semaphore(%arg14 : memref<!tpu.dma_semaphore, #tpu.memory_space<semaphore_mem>>)
      %dma_start3A_54 = arith.constant 1 : i32
      %dma_start3A_55 = arith.constant 1 : i32
      %dma_start3A_56 = arith.constant 0 : i32
      %dma_start3A_57 = tpu.memref_slice %arg11[%dma_start3A_55, %dma_start3A_56] : memref<4x128xf32, #tpu.memory_space<vmem>> -> memref<1x128xf32, #tpu.memory_space<vmem>>
      %dma_start3A_58 = tpu.memref_squeeze %dma_start3A_57 : memref<1x128xf32, #tpu.memory_space<vmem>> -> memref<128xf32, #tpu.memory_space<vmem>>
      %dma_start3A_59 = arith.constant 0 : i32
      %dma_start3A_60 = tpu.memref_slice %arg9[%dma_start3A_54, %dma_start3A_59] : memref<4x128xi32, #tpu.memory_space<vmem>> -> memref<1x128xi32, #tpu.memory_space<vmem>>
      %dma_start3A_61 = tpu.memref_squeeze %dma_start3A_60 : memref<1x128xi32, #tpu.memory_space<vmem>> -> memref<128xi32, #tpu.memory_space<vmem>>
      %dma_start3A_62 = arith.constant 0 : i32
      %dma_start3A_63 = tpu.memref_slice %arg4[%scan3A_7, %dma_start3A_62] : memref<64x1000000xf32, #tpu.memory_space<hbm>> -> memref<1x1000000xf32, #tpu.memory_space<hbm>>
      %dma_start3A_64 = tpu.memref_squeeze %dma_start3A_63 : memref<1x1000000xf32, #tpu.memory_space<hbm>> -> memref<1000000xf32, #tpu.memory_space<hbm>>
      %dma_start3A_65 = arith.constant 0 : i32
      %dma_start3A_66 = tpu.memref_slice %dma_start3A_64[%dma_start3A_65] : memref<1000000xf32, #tpu.memory_space<hbm>> -> memref<1000000xf32, #tpu.memory_space<hbm>>
      tpu.enqueue_indirect_dma source(%dma_start3A_66 : memref<1000000xf32, #tpu.memory_space<hbm>>) target(%dma_start3A_58 : memref<128xf32, #tpu.memory_space<vmem>>) offsets(%dma_start3A_61 : memref<128xi32, #tpu.memory_space<vmem>>) semaphore(%arg14 : memref<!tpu.dma_semaphore, #tpu.memory_space<semaphore_mem>>)
      %dma_start3A_67 = arith.constant 1 : i32
      %dma_start3A_68 = arith.constant 1 : i32
      %dma_start3A_69 = arith.constant 0 : i32
      %dma_start3A_70 = tpu.memref_slice %arg12[%dma_start3A_68, %dma_start3A_69] : memref<4x128xf32, #tpu.memory_space<vmem>> -> memref<1x128xf32, #tpu.memory_space<vmem>>
      %dma_start3A_71 = tpu.memref_squeeze %dma_start3A_70 : memref<1x128xf32, #tpu.memory_space<vmem>> -> memref<128xf32, #tpu.memory_space<vmem>>
      %dma_start3A_72 = arith.constant 0 : i32
      %dma_start3A_73 = tpu.memref_slice %arg10[%dma_start3A_67, %dma_start3A_72] : memref<4x128xi32, #tpu.memory_space<vmem>> -> memref<1x128xi32, #tpu.memory_space<vmem>>
      %dma_start3A_74 = tpu.memref_squeeze %dma_start3A_73 : memref<1x128xi32, #tpu.memory_space<vmem>> -> memref<128xi32, #tpu.memory_space<vmem>>
      %dma_start3A_75 = arith.constant 0 : i32
      %dma_start3A_76 = tpu.memref_slice %arg5[%scan3A_8, %dma_start3A_75] : memref<64x1000000xf32, #tpu.memory_space<hbm>> -> memref<1x1000000xf32, #tpu.memory_space<hbm>>
      %dma_start3A_77 = tpu.memref_squeeze %dma_start3A_76 : memref<1x1000000xf32, #tpu.memory_space<hbm>> -> memref<1000000xf32, #tpu.memory_space<hbm>>
      %dma_start3A_78 = arith.constant 0 : i32
      %dma_start3A_79 = tpu.memref_slice %dma_start3A_77[%dma_start3A_78] : memref<1000000xf32, #tpu.memory_space<hbm>> -> memref<1000000xf32, #tpu.memory_space<hbm>>
      tpu.enqueue_indirect_dma source(%dma_start3A_79 : memref<1000000xf32, #tpu.memory_space<hbm>>) target(%dma_start3A_71 : memref<128xf32, #tpu.memory_space<vmem>>) offsets(%dma_start3A_74 : memref<128xi32, #tpu.memory_space<vmem>>) semaphore(%arg14 : memref<!tpu.dma_semaphore, #tpu.memory_space<semaphore_mem>>)
      %dma_start3A_80 = arith.constant 2 : i32
      %dma_start3A_81 = arith.constant 2 : i32
      %dma_start3A_82 = arith.constant 0 : i32
      %dma_start3A_83 = tpu.memref_slice %arg11[%dma_start3A_81, %dma_start3A_82] : memref<4x128xf32, #tpu.memory_space<vmem>> -> memref<1x128xf32, #tpu.memory_space<vmem>>
      %dma_start3A_84 = tpu.memref_squeeze %dma_start3A_83 : memref<1x128xf32, #tpu.memory_space<vmem>> -> memref<128xf32, #tpu.memory_space<vmem>>
      %dma_start3A_85 = arith.constant 0 : i32
      %dma_start3A_86 = tpu.memref_slice %arg9[%dma_start3A_80, %dma_start3A_85] : memref<4x128xi32, #tpu.memory_space<vmem>> -> memref<1x128xi32, #tpu.memory_space<vmem>>
      %dma_start3A_87 = tpu.memref_squeeze %dma_start3A_86 : memref<1x128xi32, #tpu.memory_space<vmem>> -> memref<128xi32, #tpu.memory_space<vmem>>
      %dma_start3A_88 = arith.constant 0 : i32
      %dma_start3A_89 = tpu.memref_slice %arg4[%scan3A_7, %dma_start3A_88] : memref<64x1000000xf32, #tpu.memory_space<hbm>> -> memref<1x1000000xf32, #tpu.memory_space<hbm>>
      %dma_start3A_90 = tpu.memref_squeeze %dma_start3A_89 : memref<1x1000000xf32, #tpu.memory_space<hbm>> -> memref<1000000xf32, #tpu.memory_space<hbm>>
      %dma_start3A_91 = arith.constant 0 : i32
      %dma_start3A_92 = tpu.memref_slice %dma_start3A_90[%dma_start3A_91] : memref<1000000xf32, #tpu.memory_space<hbm>> -> memref<1000000xf32, #tpu.memory_space<hbm>>
      tpu.enqueue_indirect_dma source(%dma_start3A_92 : memref<1000000xf32, #tpu.memory_space<hbm>>) target(%dma_start3A_84 : memref<128xf32, #tpu.memory_space<vmem>>) offsets(%dma_start3A_87 : memref<128xi32, #tpu.memory_space<vmem>>) semaphore(%arg14 : memref<!tpu.dma_semaphore, #tpu.memory_space<semaphore_mem>>)
      %dma_start3A_93 = arith.constant 2 : i32
      %dma_start3A_94 = arith.constant 2 : i32
      %dma_start3A_95 = arith.constant 0 : i32
      %dma_start3A_96 = tpu.memref_slice %arg12[%dma_start3A_94, %dma_start3A_95] : memref<4x128xf32, #tpu.memory_space<vmem>> -> memref<1x128xf32, #tpu.memory_space<vmem>>
      %dma_start3A_97 = tpu.memref_squeeze %dma_start3A_96 : memref<1x128xf32, #tpu.memory_space<vmem>> -> memref<128xf32, #tpu.memory_space<vmem>>
      %dma_start3A_98 = arith.constant 0 : i32
      %dma_start3A_99 = tpu.memref_slice %arg10[%dma_start3A_93, %dma_start3A_98] : memref<4x128xi32, #tpu.memory_space<vmem>> -> memref<1x128xi32, #tpu.memory_space<vmem>>
      %dma_start3A_100 = tpu.memref_squeeze %dma_start3A_99 : memref<1x128xi32, #tpu.memory_space<vmem>> -> memref<128xi32, #tpu.memory_space<vmem>>
      %dma_start3A_101 = arith.constant 0 : i32
      %dma_start3A_102 = tpu.memref_slice %arg5[%scan3A_8, %dma_start3A_101] : memref<64x1000000xf32, #tpu.memory_space<hbm>> -> memref<1x1000000xf32, #tpu.memory_space<hbm>>
      %dma_start3A_103 = tpu.memref_squeeze %dma_start3A_102 : memref<1x1000000xf32, #tpu.memory_space<hbm>> -> memref<1000000xf32, #tpu.memory_space<hbm>>
      %dma_start3A_104 = arith.constant 0 : i32
      %dma_start3A_105 = tpu.memref_slice %dma_start3A_103[%dma_start3A_104] : memref<1000000xf32, #tpu.memory_space<hbm>> -> memref<1000000xf32, #tpu.memory_space<hbm>>
      tpu.enqueue_indirect_dma source(%dma_start3A_105 : memref<1000000xf32, #tpu.memory_space<hbm>>) target(%dma_start3A_97 : memref<128xf32, #tpu.memory_space<vmem>>) offsets(%dma_start3A_100 : memref<128xi32, #tpu.memory_space<vmem>>) semaphore(%arg14 : memref<!tpu.dma_semaphore, #tpu.memory_space<semaphore_mem>>)
      %dma_start3A_106 = arith.constant 3 : i32
      %dma_start3A_107 = arith.constant 3 : i32
      %dma_start3A_108 = arith.constant 0 : i32
      %dma_start3A_109 = tpu.memref_slice %arg11[%dma_start3A_107, %dma_start3A_108] : memref<4x128xf32, #tpu.memory_space<vmem>> -> memref<1x128xf32, #tpu.memory_space<vmem>>
      %dma_start3A_110 = tpu.memref_squeeze %dma_start3A_109 : memref<1x128xf32, #tpu.memory_space<vmem>> -> memref<128xf32, #tpu.memory_space<vmem>>
      %dma_start3A_111 = arith.constant 0 : i32
      %dma_start3A_112 = tpu.memref_slice %arg9[%dma_start3A_106, %dma_start3A_111] : memref<4x128xi32, #tpu.memory_space<vmem>> -> memref<1x128xi32, #tpu.memory_space<vmem>>
      %dma_start3A_113 = tpu.memref_squeeze %dma_start3A_112 : memref<1x128xi32, #tpu.memory_space<vmem>> -> memref<128xi32, #tpu.memory_space<vmem>>
      %dma_start3A_114 = arith.constant 0 : i32
      %dma_start3A_115 = tpu.memref_slice %arg4[%scan3A_7, %dma_start3A_114] : memref<64x1000000xf32, #tpu.memory_space<hbm>> -> memref<1x1000000xf32, #tpu.memory_space<hbm>>
      %dma_start3A_116 = tpu.memref_squeeze %dma_start3A_115 : memref<1x1000000xf32, #tpu.memory_space<hbm>> -> memref<1000000xf32, #tpu.memory_space<hbm>>
      %dma_start3A_117 = arith.constant 0 : i32
      %dma_start3A_118 = tpu.memref_slice %dma_start3A_116[%dma_start3A_117] : memref<1000000xf32, #tpu.memory_space<hbm>> -> memref<1000000xf32, #tpu.memory_space<hbm>>
      tpu.enqueue_indirect_dma source(%dma_start3A_118 : memref<1000000xf32, #tpu.memory_space<hbm>>) target(%dma_start3A_110 : memref<128xf32, #tpu.memory_space<vmem>>) offsets(%dma_start3A_113 : memref<128xi32, #tpu.memory_space<vmem>>) semaphore(%arg14 : memref<!tpu.dma_semaphore, #tpu.memory_space<semaphore_mem>>)
      %dma_start3A_119 = arith.constant 3 : i32
      %dma_start3A_120 = arith.constant 3 : i32
      %dma_start3A_121 = arith.constant 0 : i32
      %dma_start3A_122 = tpu.memref_slice %arg12[%dma_start3A_120, %dma_start3A_121] : memref<4x128xf32, #tpu.memory_space<vmem>> -> memref<1x128xf32, #tpu.memory_space<vmem>>
      %dma_start3A_123 = tpu.memref_squeeze %dma_start3A_122 : memref<1x128xf32, #tpu.memory_space<vmem>> -> memref<128xf32, #tpu.memory_space<vmem>>
      %dma_start3A_124 = arith.constant 0 : i32
      %dma_start3A_125 = tpu.memref_slice %arg10[%dma_start3A_119, %dma_start3A_124] : memref<4x128xi32, #tpu.memory_space<vmem>> -> memref<1x128xi32, #tpu.memory_space<vmem>>
      %dma_start3A_126 = tpu.memref_squeeze %dma_start3A_125 : memref<1x128xi32, #tpu.memory_space<vmem>> -> memref<128xi32, #tpu.memory_space<vmem>>
      %dma_start3A_127 = arith.constant 0 : i32
      %dma_start3A_128 = tpu.memref_slice %arg5[%scan3A_8, %dma_start3A_127] : memref<64x1000000xf32, #tpu.memory_space<hbm>> -> memref<1x1000000xf32, #tpu.memory_space<hbm>>
      %dma_start3A_129 = tpu.memref_squeeze %dma_start3A_128 : memref<1x1000000xf32, #tpu.memory_space<hbm>> -> memref<1000000xf32, #tpu.memory_space<hbm>>
      %dma_start3A_130 = arith.constant 0 : i32
      %dma_start3A_131 = tpu.memref_slice %dma_start3A_129[%dma_start3A_130] : memref<1000000xf32, #tpu.memory_space<hbm>> -> memref<1000000xf32, #tpu.memory_space<hbm>>
      tpu.enqueue_indirect_dma source(%dma_start3A_131 : memref<1000000xf32, #tpu.memory_space<hbm>>) target(%dma_start3A_123 : memref<128xf32, #tpu.memory_space<vmem>>) offsets(%dma_start3A_126 : memref<128xi32, #tpu.memory_space<vmem>>) semaphore(%arg14 : memref<!tpu.dma_semaphore, #tpu.memory_space<semaphore_mem>>)
      %dma_wait3A = arith.constant 0 : i32
      %dma_wait3A_132 = arith.constant 0 : i32
      %dma_wait3A_133 = arith.constant 0 : i32
      %dma_wait3A_134 = tpu.memref_slice %arg11[%dma_wait3A_132, %dma_wait3A_133] : memref<4x128xf32, #tpu.memory_space<vmem>> -> memref<1x128xf32, #tpu.memory_space<vmem>>
      %dma_wait3A_135 = tpu.memref_squeeze %dma_wait3A_134 : memref<1x128xf32, #tpu.memory_space<vmem>> -> memref<128xf32, #tpu.memory_space<vmem>>
      %dma_wait3A_136 = arith.constant 0 : i32
      %dma_wait3A_137 = tpu.memref_slice %arg9[%dma_wait3A, %dma_wait3A_136] : memref<4x128xi32, #tpu.memory_space<vmem>> -> memref<1x128xi32, #tpu.memory_space<vmem>>
      %dma_wait3A_138 = tpu.memref_squeeze %dma_wait3A_137 : memref<1x128xi32, #tpu.memory_space<vmem>> -> memref<128xi32, #tpu.memory_space<vmem>>
      %dma_wait3A_139 = arith.constant 0 : i32
      %dma_wait3A_140 = tpu.memref_slice %arg4[%scan3A_7, %dma_wait3A_139] : memref<64x1000000xf32, #tpu.memory_space<hbm>> -> memref<1x1000000xf32, #tpu.memory_space<hbm>>
      %dma_wait3A_141 = tpu.memref_squeeze %dma_wait3A_140 : memref<1x1000000xf32, #tpu.memory_space<hbm>> -> memref<1000000xf32, #tpu.memory_space<hbm>>
      %dma_wait3A_142 = arith.constant 0 : i32
      %dma_wait3A_143 = tpu.memref_slice %dma_wait3A_141[%dma_wait3A_142] : memref<1000000xf32, #tpu.memory_space<hbm>> -> memref<1000000xf32, #tpu.memory_space<hbm>>
      tpu.wait_indirect_dma semaphore(%arg14 : memref<!tpu.dma_semaphore, #tpu.memory_space<semaphore_mem>>) src(%dma_wait3A_143 : memref<1000000xf32, #tpu.memory_space<hbm>>) dst(%dma_wait3A_135 : memref<128xf32, #tpu.memory_space<vmem>>)
      %dma_wait3A_144 = arith.constant 0 : i32
      %dma_wait3A_145 = arith.constant 0 : i32
      %dma_wait3A_146 = arith.constant 0 : i32
      %dma_wait3A_147 = tpu.memref_slice %arg12[%dma_wait3A_145, %dma_wait3A_146] : memref<4x128xf32, #tpu.memory_space<vmem>> -> memref<1x128xf32, #tpu.memory_space<vmem>>
      %dma_wait3A_148 = tpu.memref_squeeze %dma_wait3A_147 : memref<1x128xf32, #tpu.memory_space<vmem>> -> memref<128xf32, #tpu.memory_space<vmem>>
      %dma_wait3A_149 = arith.constant 0 : i32
      %dma_wait3A_150 = tpu.memref_slice %arg10[%dma_wait3A_144, %dma_wait3A_149] : memref<4x128xi32, #tpu.memory_space<vmem>> -> memref<1x128xi32, #tpu.memory_space<vmem>>
      %dma_wait3A_151 = tpu.memref_squeeze %dma_wait3A_150 : memref<1x128xi32, #tpu.memory_space<vmem>> -> memref<128xi32, #tpu.memory_space<vmem>>
      %dma_wait3A_152 = arith.constant 0 : i32
      %dma_wait3A_153 = tpu.memref_slice %arg5[%scan3A_8, %dma_wait3A_152] : memref<64x1000000xf32, #tpu.memory_space<hbm>> -> memref<1x1000000xf32, #tpu.memory_space<hbm>>
      %dma_wait3A_154 = tpu.memref_squeeze %dma_wait3A_153 : memref<1x1000000xf32, #tpu.memory_space<hbm>> -> memref<1000000xf32, #tpu.memory_space<hbm>>
      %dma_wait3A_155 = arith.constant 0 : i32
      %dma_wait3A_156 = tpu.memref_slice %dma_wait3A_154[%dma_wait3A_155] : memref<1000000xf32, #tpu.memory_space<hbm>> -> memref<1000000xf32, #tpu.memory_space<hbm>>
      tpu.wait_indirect_dma semaphore(%arg14 : memref<!tpu.dma_semaphore, #tpu.memory_space<semaphore_mem>>) src(%dma_wait3A_156 : memref<1000000xf32, #tpu.memory_space<hbm>>) dst(%dma_wait3A_148 : memref<128xf32, #tpu.memory_space<vmem>>)
      %dma_wait3A_157 = arith.constant 1 : i32
      %dma_wait3A_158 = arith.constant 1 : i32
      %dma_wait3A_159 = arith.constant 0 : i32
      %dma_wait3A_160 = tpu.memref_slice %arg11[%dma_wait3A_158, %dma_wait3A_159] : memref<4x128xf32, #tpu.memory_space<vmem>> -> memref<1x128xf32, #tpu.memory_space<vmem>>
      %dma_wait3A_161 = tpu.memref_squeeze %dma_wait3A_160 : memref<1x128xf32, #tpu.memory_space<vmem>> -> memref<128xf32, #tpu.memory_space<vmem>>
      %dma_wait3A_162 = arith.constant 0 : i32
      %dma_wait3A_163 = tpu.memref_slice %arg9[%dma_wait3A_157, %dma_wait3A_162] : memref<4x128xi32, #tpu.memory_space<vmem>> -> memref<1x128xi32, #tpu.memory_space<vmem>>
      %dma_wait3A_164 = tpu.memref_squeeze %dma_wait3A_163 : memref<1x128xi32, #tpu.memory_space<vmem>> -> memref<128xi32, #tpu.memory_space<vmem>>
      %dma_wait3A_165 = arith.constant 0 : i32
      %dma_wait3A_166 = tpu.memref_slice %arg4[%scan3A_7, %dma_wait3A_165] : memref<64x1000000xf32, #tpu.memory_space<hbm>> -> memref<1x1000000xf32, #tpu.memory_space<hbm>>
      %dma_wait3A_167 = tpu.memref_squeeze %dma_wait3A_166 : memref<1x1000000xf32, #tpu.memory_space<hbm>> -> memref<1000000xf32, #tpu.memory_space<hbm>>
      %dma_wait3A_168 = arith.constant 0 : i32
      %dma_wait3A_169 = tpu.memref_slice %dma_wait3A_167[%dma_wait3A_168] : memref<1000000xf32, #tpu.memory_space<hbm>> -> memref<1000000xf32, #tpu.memory_space<hbm>>
      tpu.wait_indirect_dma semaphore(%arg14 : memref<!tpu.dma_semaphore, #tpu.memory_space<semaphore_mem>>) src(%dma_wait3A_169 : memref<1000000xf32, #tpu.memory_space<hbm>>) dst(%dma_wait3A_161 : memref<128xf32, #tpu.memory_space<vmem>>)
      %dma_wait3A_170 = arith.constant 1 : i32
      %dma_wait3A_171 = arith.constant 1 : i32
      %dma_wait3A_172 = arith.constant 0 : i32
      %dma_wait3A_173 = tpu.memref_slice %arg12[%dma_wait3A_171, %dma_wait3A_172] : memref<4x128xf32, #tpu.memory_space<vmem>> -> memref<1x128xf32, #tpu.memory_space<vmem>>
      %dma_wait3A_174 = tpu.memref_squeeze %dma_wait3A_173 : memref<1x128xf32, #tpu.memory_space<vmem>> -> memref<128xf32, #tpu.memory_space<vmem>>
      %dma_wait3A_175 = arith.constant 0 : i32
      %dma_wait3A_176 = tpu.memref_slice %arg10[%dma_wait3A_170, %dma_wait3A_175] : memref<4x128xi32, #tpu.memory_space<vmem>> -> memref<1x128xi32, #tpu.memory_space<vmem>>
      %dma_wait3A_177 = tpu.memref_squeeze %dma_wait3A_176 : memref<1x128xi32, #tpu.memory_space<vmem>> -> memref<128xi32, #tpu.memory_space<vmem>>
      %dma_wait3A_178 = arith.constant 0 : i32
      %dma_wait3A_179 = tpu.memref_slice %arg5[%scan3A_8, %dma_wait3A_178] : memref<64x1000000xf32, #tpu.memory_space<hbm>> -> memref<1x1000000xf32, #tpu.memory_space<hbm>>
      %dma_wait3A_180 = tpu.memref_squeeze %dma_wait3A_179 : memref<1x1000000xf32, #tpu.memory_space<hbm>> -> memref<1000000xf32, #tpu.memory_space<hbm>>
      %dma_wait3A_181 = arith.constant 0 : i32
      %dma_wait3A_182 = tpu.memref_slice %dma_wait3A_180[%dma_wait3A_181] : memref<1000000xf32, #tpu.memory_space<hbm>> -> memref<1000000xf32, #tpu.memory_space<hbm>>
      tpu.wait_indirect_dma semaphore(%arg14 : memref<!tpu.dma_semaphore, #tpu.memory_space<semaphore_mem>>) src(%dma_wait3A_182 : memref<1000000xf32, #tpu.memory_space<hbm>>) dst(%dma_wait3A_174 : memref<128xf32, #tpu.memory_space<vmem>>)
      %dma_wait3A_183 = arith.constant 2 : i32
      %dma_wait3A_184 = arith.constant 2 : i32
      %dma_wait3A_185 = arith.constant 0 : i32
      %dma_wait3A_186 = tpu.memref_slice %arg11[%dma_wait3A_184, %dma_wait3A_185] : memref<4x128xf32, #tpu.memory_space<vmem>> -> memref<1x128xf32, #tpu.memory_space<vmem>>
      %dma_wait3A_187 = tpu.memref_squeeze %dma_wait3A_186 : memref<1x128xf32, #tpu.memory_space<vmem>> -> memref<128xf32, #tpu.memory_space<vmem>>
      %dma_wait3A_188 = arith.constant 0 : i32
      %dma_wait3A_189 = tpu.memref_slice %arg9[%dma_wait3A_183, %dma_wait3A_188] : memref<4x128xi32, #tpu.memory_space<vmem>> -> memref<1x128xi32, #tpu.memory_space<vmem>>
      %dma_wait3A_190 = tpu.memref_squeeze %dma_wait3A_189 : memref<1x128xi32, #tpu.memory_space<vmem>> -> memref<128xi32, #tpu.memory_space<vmem>>
      %dma_wait3A_191 = arith.constant 0 : i32
      %dma_wait3A_192 = tpu.memref_slice %arg4[%scan3A_7, %dma_wait3A_191] : memref<64x1000000xf32, #tpu.memory_space<hbm>> -> memref<1x1000000xf32, #tpu.memory_space<hbm>>
      %dma_wait3A_193 = tpu.memref_squeeze %dma_wait3A_192 : memref<1x1000000xf32, #tpu.memory_space<hbm>> -> memref<1000000xf32, #tpu.memory_space<hbm>>
      %dma_wait3A_194 = arith.constant 0 : i32
      %dma_wait3A_195 = tpu.memref_slice %dma_wait3A_193[%dma_wait3A_194] : memref<1000000xf32, #tpu.memory_space<hbm>> -> memref<1000000xf32, #tpu.memory_space<hbm>>
      tpu.wait_indirect_dma semaphore(%arg14 : memref<!tpu.dma_semaphore, #tpu.memory_space<semaphore_mem>>) src(%dma_wait3A_195 : memref<1000000xf32, #tpu.memory_space<hbm>>) dst(%dma_wait3A_187 : memref<128xf32, #tpu.memory_space<vmem>>)
      %dma_wait3A_196 = arith.constant 2 : i32
      %dma_wait3A_197 = arith.constant 2 : i32
      %dma_wait3A_198 = arith.constant 0 : i32
      %dma_wait3A_199 = tpu.memref_slice %arg12[%dma_wait3A_197, %dma_wait3A_198] : memref<4x128xf32, #tpu.memory_space<vmem>> -> memref<1x128xf32, #tpu.memory_space<vmem>>
      %dma_wait3A_200 = tpu.memref_squeeze %dma_wait3A_199 : memref<1x128xf32, #tpu.memory_space<vmem>> -> memref<128xf32, #tpu.memory_space<vmem>>
      %dma_wait3A_201 = arith.constant 0 : i32
      %dma_wait3A_202 = tpu.memref_slice %arg10[%dma_wait3A_196, %dma_wait3A_201] : memref<4x128xi32, #tpu.memory_space<vmem>> -> memref<1x128xi32, #tpu.memory_space<vmem>>
      %dma_wait3A_203 = tpu.memref_squeeze %dma_wait3A_202 : memref<1x128xi32, #tpu.memory_space<vmem>> -> memref<128xi32, #tpu.memory_space<vmem>>
      %dma_wait3A_204 = arith.constant 0 : i32
      %dma_wait3A_205 = tpu.memref_slice %arg5[%scan3A_8, %dma_wait3A_204] : memref<64x1000000xf32, #tpu.memory_space<hbm>> -> memref<1x1000000xf32, #tpu.memory_space<hbm>>
      %dma_wait3A_206 = tpu.memref_squeeze %dma_wait3A_205 : memref<1x1000000xf32, #tpu.memory_space<hbm>> -> memref<1000000xf32, #tpu.memory_space<hbm>>
      %dma_wait3A_207 = arith.constant 0 : i32
      %dma_wait3A_208 = tpu.memref_slice %dma_wait3A_206[%dma_wait3A_207] : memref<1000000xf32, #tpu.memory_space<hbm>> -> memref<1000000xf32, #tpu.memory_space<hbm>>
      tpu.wait_indirect_dma semaphore(%arg14 : memref<!tpu.dma_semaphore, #tpu.memory_space<semaphore_mem>>) src(%dma_wait3A_208 : memref<1000000xf32, #tpu.memory_space<hbm>>) dst(%dma_wait3A_200 : memref<128xf32, #tpu.memory_space<vmem>>)
      %dma_wait3A_209 = arith.constant 3 : i32
      %dma_wait3A_210 = arith.constant 3 : i32
      %dma_wait3A_211 = arith.constant 0 : i32
      %dma_wait3A_212 = tpu.memref_slice %arg11[%dma_wait3A_210, %dma_wait3A_211] : memref<4x128xf32, #tpu.memory_space<vmem>> -> memref<1x128xf32, #tpu.memory_space<vmem>>
      %dma_wait3A_213 = tpu.memref_squeeze %dma_wait3A_212 : memref<1x128xf32, #tpu.memory_space<vmem>> -> memref<128xf32, #tpu.memory_space<vmem>>
      %dma_wait3A_214 = arith.constant 0 : i32
      %dma_wait3A_215 = tpu.memref_slice %arg9[%dma_wait3A_209, %dma_wait3A_214] : memref<4x128xi32, #tpu.memory_space<vmem>> -> memref<1x128xi32, #tpu.memory_space<vmem>>
      %dma_wait3A_216 = tpu.memref_squeeze %dma_wait3A_215 : memref<1x128xi32, #tpu.memory_space<vmem>> -> memref<128xi32, #tpu.memory_space<vmem>>
      %dma_wait3A_217 = arith.constant 0 : i32
      %dma_wait3A_218 = tpu.memref_slice %arg4[%scan3A_7, %dma_wait3A_217] : memref<64x1000000xf32, #tpu.memory_space<hbm>> -> memref<1x1000000xf32, #tpu.memory_space<hbm>>
      %dma_wait3A_219 = tpu.memref_squeeze %dma_wait3A_218 : memref<1x1000000xf32, #tpu.memory_space<hbm>> -> memref<1000000xf32, #tpu.memory_space<hbm>>
      %dma_wait3A_220 = arith.constant 0 : i32
      %dma_wait3A_221 = tpu.memref_slice %dma_wait3A_219[%dma_wait3A_220] : memref<1000000xf32, #tpu.memory_space<hbm>> -> memref<1000000xf32, #tpu.memory_space<hbm>>
      tpu.wait_indirect_dma semaphore(%arg14 : memref<!tpu.dma_semaphore, #tpu.memory_space<semaphore_mem>>) src(%dma_wait3A_221 : memref<1000000xf32, #tpu.memory_space<hbm>>) dst(%dma_wait3A_213 : memref<128xf32, #tpu.memory_space<vmem>>)
      %dma_wait3A_222 = arith.constant 3 : i32
      %dma_wait3A_223 = arith.constant 3 : i32
      %dma_wait3A_224 = arith.constant 0 : i32
      %dma_wait3A_225 = tpu.memref_slice %arg12[%dma_wait3A_223, %dma_wait3A_224] : memref<4x128xf32, #tpu.memory_space<vmem>> -> memref<1x128xf32, #tpu.memory_space<vmem>>
      %dma_wait3A_226 = tpu.memref_squeeze %dma_wait3A_225 : memref<1x128xf32, #tpu.memory_space<vmem>> -> memref<128xf32, #tpu.memory_space<vmem>>
      %dma_wait3A_227 = arith.constant 0 : i32
      %dma_wait3A_228 = tpu.memref_slice %arg10[%dma_wait3A_222, %dma_wait3A_227] : memref<4x128xi32, #tpu.memory_space<vmem>> -> memref<1x128xi32, #tpu.memory_space<vmem>>
      %dma_wait3A_229 = tpu.memref_squeeze %dma_wait3A_228 : memref<1x128xi32, #tpu.memory_space<vmem>> -> memref<128xi32, #tpu.memory_space<vmem>>
      %dma_wait3A_230 = arith.constant 0 : i32
      %dma_wait3A_231 = tpu.memref_slice %arg5[%scan3A_8, %dma_wait3A_230] : memref<64x1000000xf32, #tpu.memory_space<hbm>> -> memref<1x1000000xf32, #tpu.memory_space<hbm>>
      %dma_wait3A_232 = tpu.memref_squeeze %dma_wait3A_231 : memref<1x1000000xf32, #tpu.memory_space<hbm>> -> memref<1000000xf32, #tpu.memory_space<hbm>>
      %dma_wait3A_233 = arith.constant 0 : i32
      %dma_wait3A_234 = tpu.memref_slice %dma_wait3A_232[%dma_wait3A_233] : memref<1000000xf32, #tpu.memory_space<hbm>> -> memref<1000000xf32, #tpu.memory_space<hbm>>
      tpu.wait_indirect_dma semaphore(%arg14 : memref<!tpu.dma_semaphore, #tpu.memory_space<semaphore_mem>>) src(%dma_wait3A_234 : memref<1000000xf32, #tpu.memory_space<hbm>>) dst(%dma_wait3A_226 : memref<128xf32, #tpu.memory_space<vmem>>)
      %scan3A_235 = arith.constant 0 : i32
      %scan3A_236 = arith.constant 0 : i32
      %scan3A_237 = arith.constant 4 : i32
      %scan3A_238 = arith.addi %scan3A_236, %scan3A_237 : i32
      %scan3A_239 = arith.constant 1 : i32
      %scan3A_240 = scf.for %scan3A_243 = %scan3A_236 to %scan3A_238 step %scan3A_239 iter_args(%scan3A_244 = %scan3A_235) -> (i32)  : i32 {
        %scan3A_245 = arith.constant 0 : i32
        %scan3A_246 = arith.constant 0 : i32
        %scan3A_247 = arith.constant 8 : i32
        %scan3A_248 = arith.addi %scan3A_246, %scan3A_247 : i32
        %scan3A_249 = arith.constant 1 : i32
        %scan3A_250 = scf.for %scan3A_253 = %scan3A_246 to %scan3A_248 step %scan3A_249 iter_args(%scan3A_254 = %scan3A_245) -> (i32)  : i32 {
          %mul3A_255 = arith.constant 16 : i32
          %mul3A_256 = arith.muli %scan3A_253, %mul3A_255 : i32
          %mul3A_257 = arith.constant 128 : i32
          %mul3A_258 = arith.muli %scan3A_243, %mul3A_257 : i32
          %mul3A_259 = arith.constant 16 : i32
          %mul3A_260 = arith.muli %scan3A_253, %mul3A_259 : i32
          %add3A_261 = arith.addi %mul3A_258, %mul3A_260 : i32
          %get3A = arith.index_cast %add3A_261 : i32 to index
          %get3A_262 = tpu.vector_load %arg13[%get3A] {strides = array<i32>} : memref<512xf32, #tpu.memory_space<vmem>>, vector<16xf32>,
          %get3A_263 = arith.index_cast %scan3A_243 : i32 to index
          %get3A_264 = arith.index_cast %mul3A_256 : i32 to index
          %get3A_265 = tpu.vector_load %arg11[%get3A_263, %get3A_264] {strides = array<i32>} : memref<4x128xf32, #tpu.memory_space<vmem>>, vector<16xf32>,
          %get3A_266 = arith.index_cast %scan3A_243 : i32 to index
          %get3A_267 = arith.index_cast %mul3A_256 : i32 to index
          %get3A_268 = tpu.vector_load %arg12[%get3A_266, %get3A_267] {strides = array<i32>} : memref<4x128xf32, #tpu.memory_space<vmem>>, vector<16xf32>,
          %mul3A_269 = arith.mulf %get3A_265, %get3A_268 : vector<16xf32>
          %add3A_270 = arith.addf %get3A_262, %mul3A_269 : vector<16xf32>
          %swap3A = arith.index_cast %add3A_261 : i32 to index
          %swap3A_271 = tpu.vector_load %arg13[%swap3A] {strides = array<i32>} : memref<512xf32, #tpu.memory_space<vmem>>, vector<16xf32>,
          tpu.vector_store %arg13[%swap3A], %add3A_270 {strides = array<i32>} : memref<512xf32, #tpu.memory_space<vmem>>, vector<16xf32>,
          %scan3A_272 = arith.constant 0 : i32
          scf.yield %scan3A_272 : i32
        }
        %scan3A_251 = arith.constant 8 : i32
        %scan3A_252 = arith.constant 0 : i32
        scf.yield %scan3A_252 : i32
      }
      %scan3A_241 = arith.constant 4 : i32
      %scan3A_242 = arith.constant 0 : i32
      scf.yield %scan3A_242 : i32
    }
    %scan3A_15 = arith.constant 64 : i32
    %mul3A_16 = arith.constant 512 : i32
    %mul3A_17 = arith.muli %add3A, %mul3A_16 : i32
    "tpu.region"() ({
      %run_scoped3A = tpu.sem_alloc : memref<!tpu.dma_semaphore, #tpu.memory_space<semaphore_mem>>
      %dma_start3A = tpu.memref_slice %arg6[%mul3A_17] : memref<16384xf32, #tpu.memory_space<hbm>> -> memref<512xf32, #tpu.memory_space<hbm>>
      %dma_start3A_18 = tpu.memref_slice %arg6[%mul3A_17] : memref<16384xf32, #tpu.memory_space<hbm>> -> memref<512xf32, #tpu.memory_space<hbm>>
      tpu.enqueue_dma source(%arg13 : memref<512xf32, #tpu.memory_space<vmem>>) target(%dma_start3A_18 : memref<512xf32, #tpu.memory_space<hbm>>) target_semaphore(%run_scoped3A : memref<!tpu.dma_semaphore, #tpu.memory_space<semaphore_mem>>)
      %dma_wait3A = tpu.memref_slice %arg6[%mul3A_17] : memref<16384xf32, #tpu.memory_space<hbm>> -> memref<512xf32, #tpu.memory_space<hbm>>
      %dma_wait3A_19 = tpu.memref_slice %arg6[%mul3A_17] : memref<16384xf32, #tpu.memory_space<hbm>> -> memref<512xf32, #tpu.memory_space<hbm>>
      tpu.wait_dma2 semaphore(%run_scoped3A : memref<!tpu.dma_semaphore, #tpu.memory_space<semaphore_mem>>) src(%arg13 : memref<512xf32, #tpu.memory_space<vmem>>) dst(%dma_wait3A_19 : memref<512xf32, #tpu.memory_space<hbm>>)
      tpu.yield
    }) : () -> ()
    return
  }
}

</mosaic_0001>

<sc_bundles>
// kernel: kernel.3.cloned.1.call-start
scs
__scs_entry_jumppad:
0x0: {  	(pc) =	sbr.rel $0x88, $3  }
0x1: {  	(tag) =	ssettag $0x0;
	lr =	simm.s32 $0x1  }
0x2: {  	[smem:$0x3F9D] =	sst lr;
	_ =	strace $0xD0000000  }
0x3: {  	_ = 	snop  }
0x4: {  	_ = 	snop  }
0x5: {  	_ = 	snop  }
0x6: {  	_ = 	snop  }
0x7: {  	_ = 	snop  }
__scs_overlays_trampoline_lowered:
0x8: {  	[smem:$0x3FAC] =	sst s0  }
0x9: {  	[smem:$0x3FAD] =	sst s1  }
0xa: {  	[smem:$0x3FAE] =	sst s2  }
0xb: {  	[smem:$0x3FAF] =	sst s3  }
0xc: {  	[smem:$0x3FB0] =	sst s4  }
0xd: {  	[smem:$0x3FB1] =	sst s5  }
0xe: {  	[smem:$0x3FB2] =	sst s6  }
0xf: {  	[smem:$0x3FB3] =	sst s7  }
0x10: {  	[smem:$0x3FB4] =	sst s8  }
0x11: {  	[smem:$0x3FB5] =	sst s9;
	s0 =	simm.s32 @!p0 $0x0  }
0x12: {  	s1 =	sld [smem:$0x3F9B];
	s0 =	simm.s32 @p0 $0x1  }
0x13: {  	[smem:$0x3FB6] =	sst s0;
	s0 =	simm.s32 @!p1 $0x0  }
0x14: {  	s2 =	sld [smem:$0x3F9A];
	s0 =	simm.s32 @p1 $0x1  }
0x15: {  	[smem:$0x3FB7] =	sst s0;
	s0 =	simm.s32 @!p2 $0x0  }
0x16: {  	s3 =	sld [smem:$0x3FDB];
	s0 =	simm.s32 @p2 $0x1  }
0x17: {  	s4 =	simm.s32 $0x1BF5;
	[smem:$0x3FB9] =	sst s0  }
0x18: {  	s0 =	sld [smem:$0x3F9C];
	_ =	swait.ge [sflag:s4], $0x0  }
0x19: {  	s7 =	sld [smem:$0x3F9D]  }
0x1a: {  	s8 =	sadd.s32 $0xFFFFE003, lr  }
0x1b: {  	s9 =	sadd.s32 $0xFFFFFEF7, lr;
	s5 =	simm.s32 $0xFFFFFFFF;
	p2 =	slt.u32 s8, $0xFFFFF086  }
0x1c: {  	p1 =	slt.u32 s9, $0xF7A;
	s5 =	simm.s32 @!p2 $0x0  }
0x1d: {  	s5 =	simm.s32 @p1 $0x1;
	p0 =	seq.s32 s7, s2  }
0x1e: {  	s7 =	smul.u32 @!p0 $0xF7A, s2;
	p2 =	seq.s32 @!p0 s5, $0x0  }
0x1f: {  	s9 =	smul.u32 $0xF7A, s1;
	s8 =	simm.s32 @!p0 $0x1BF5;
	p2 =	por !p2, p0  }
0x20: {  	[sflag:s8] =	ssyncset.s32 @!p0 $0xFFFFF086;
	s6 =	sadd.s32 @!p0 s3, s7;
	s7 =	simm.s32 @!p0 $0x108  }
0x21: {  	s3 =	sadd.s32 s3, s9;
	s6 =	sadd.s32 @!p0 $0x88, s6;
	s7 =	simm.s32 @p2 $0x1082  }
0x22: {  	[simem:s7], [sflag:s8] =	dma.local @!p0 [hbm:s6], $0xF7A  }
0x23: {  	s9 =	sor.u32 $0xD0000000, s2;
	s6 =	simm.s32 $0x108;
	_ =	swait.ge @!p0 [sflag:s8], $0x0  }
0x24: {  	s3 =	sadd.s32 $0x88, s3;
	s6 =	simm.s32 @!p1 $0x1082;
	[sflag:s4] =	ssyncset.s32 $0xFFFFF086  }
0x25: {  	[simem:s6], [sflag:s4] =	dma.local [hbm:s3], $0xF7A  }
0x26: {  	[smem:$0x3F9D] =	sst s1;
	(tag) =	ssettag s2;
	_ =	strace s9  }
0x27: {  	s1 =	sld [smem:$0x3FAD]  }
0x28: {  	s2 =	sld [smem:$0x3FAE]  }
0x29: {  	s4 =	sld [smem:$0x3FB0]  }
0x2a: {  	p0 =	seq.s32 s5, $0x0;
	s5 =	sld [smem:$0x3FB1]  }
0x2b: {  	s6 =	sld [smem:$0x3FB2]  }
0x2c: {  	s7 =	sld [smem:$0x3FB3]  }
0x2d: {  	s3 =	simm.s32 $0x108;
	s8 =	sld [smem:$0x3FB4]  }
0x2e: {  	s3 =	simm.s32 @!p0 $0x1082;
	s9 =	sld [smem:$0x3FB5]  }
0x2f: {  	lr =	sadd.s32 s0, s3;
	s0 =	sld [smem:$0x3FAC]  }
0x30: {  	s3 =	sld [smem:$0x3FAF]  }
0x31: {  	[smem:$0x3FB8] =	sst s10  }
0x32: {  	s10 =	sld [smem:$0x3FB6];
	_ =	sdelay $0x3  }
0x33: {  	p0 =	seq.s32 s10, $0x1;
	s10 =	sld [smem:$0x3FB8];
	_ =	sdelay $0x3  }
0x34: {  	[smem:$0x3FB8] =	sst s10  }
0x35: {  	s10 =	sld [smem:$0x3FB7];
	_ =	sdelay $0x3  }
0x36: {  	p1 =	seq.s32 s10, $0x1;
	s10 =	sld [smem:$0x3FB8];
	_ =	sdelay $0x3  }
0x37: {  	[smem:$0x3FB8] =	sst s10  }
0x38: {  	s10 =	sld [smem:$0x3FB9]  }
0x39: {  	_ = 	snop;
	(pc) =	sbr.ind lr, $3  }
0x3a: {  	_ = 	snop  }
0x3b: {  	_ = 	snop  }
0x3c: {  	p2 =	seq.s32 s10, $0x1;
	s10 =	sld [smem:$0x3FB8]  }
0x3d: {  	_ =	shalt  }
0x3e: {  	_ =	shalt  }
0x3f: {  	_ =	shalt  }
0x40: {  	_ =	shalt  }
0x41: {  	_ =	shalt  }
0x42: {  	_ =	shalt  }
0x43: {  	_ =	shalt  }
0x44: {  	_ =	shalt  }
0x45: {  	_ =	shalt  }
0x46: {  	_ =	shalt  }
0x47: {  	_ =	shalt  }
0x48: {  	_ =	shalt  }
0x49: {  	_ =	shalt  }
0x4a: {  	_ =	shalt  }
0x4b: {  	_ =	shalt  }
0x4c: {  	_ =	shalt  }
0x4d: {  	_ =	shalt  }
0x4e: {  	_ =	shalt  }
0x4f: {  	_ =	shalt  }
0x50: {  	_ =	shalt  }
0x51: {  	_ =	shalt  }
0x52: {  	_ =	shalt  }
0x53: {  	_ =	shalt  }
0x54: {  	_ =	shalt  }
0x55: {  	_ =	shalt  }
0x56: {  	_ =	shalt  }
0x57: {  	_ =	shalt  }
0x58: {  	_ =	shalt  }
0x59: {  	_ =	shalt  }
0x5a: {  	_ =	shalt  }
0x5b: {  	_ =	shalt  }
0x5c: {  	_ =	shalt  }
0x5d: {  	_ =	shalt  }
0x5e: {  	_ =	shalt  }
0x5f: {  	_ =	shalt  }
0x60: {  	_ =	shalt  }
0x61: {  	_ =	shalt  }
0x62: {  	_ =	shalt  }
0x63: {  	_ =	shalt  }
0x64: {  	_ =	shalt  }
0x65: {  	_ =	shalt  }
0x66: {  	_ =	shalt  }
0x67: {  	_ =	shalt  }
0x68: {  	_ =	shalt  }
0x69: {  	_ =	shalt  }
0x6a: {  	_ =	shalt  }
0x6b: {  	_ =	shalt  }
0x6c: {  	_ =	shalt  }
0x6d: {  	_ =	shalt  }
0x6e: {  	_ =	shalt  }
0x6f: {  	_ =	shalt  }
0x70: {  	_ =	shalt  }
0x71: {  	_ =	shalt  }
0x72: {  	_ =	shalt  }
0x73: {  	_ =	shalt  }
0x74: {  	_ =	shalt  }
0x75: {  	_ =	shalt  }
0x76: {  	_ =	shalt  }
0x77: {  	_ =	shalt  }
0x78: {  	_ =	shalt  }
0x79: {  	_ =	shalt  }
0x7a: {  	_ =	shalt  }
0x7b: {  	_ =	shalt  }
0x7c: {  	_ =	shalt  }
0x7d: {  	_ =	shalt  }
0x7e: {  	_ =	shalt  }
0x7f: {  	_ =	shalt  }
0x80: {  	_ =	shalt  }
0x81: {  	_ =	shalt  }
0x82: {  	_ =	shalt  }
0x83: {  	_ =	shalt  }
0x84: {  	_ =	shalt  }
0x85: {  	_ =	shalt  }
0x86: {  	_ =	shalt  }
0x87: {  	_ =	shalt  }
.Lfunc_end0:
.L_simem_size_0:
called_computation_lowered:
.L_overlay_start_0:
0x88: {  	s2 =	sld [smem:$0x3FD9]  }
0x89: {  	s3 =	sld [smem:$0x3FFE];
	_ =	sdelay $0x1  }
0x8a: {  	s1 =	srdreg.scid  }
0x8b: {  	s0 =	sand.u32 $0x1, s1  }
0x8c: {  	s17 =	sshll.u32 s0, $0xA;
	s2 =	sadd.s32 s3, s2  }
0x8d: {  	s2 =	sadd.s32 s2, s17  }
0x8e: {  	[smem:$0x3FC4] =	sst s2  }
0x8f: {  	_ = 	snop  }
0x90: {  	s2 =	sld [smem:$0x3FC9]  }
0x91: {  	s18 =	sld [smem:$0x3FC8]  }
0x92: {  	s4 =	sld [smem:$0x3FD0];
	(tm) =	ssettm $0x1  }
0x93: {  	s5 =	sld [smem:$0x3FFB];
	_ =	sdelay $0x3  }
0x94: {  	_ =	strace s5  }
0x95: {  	s5 =	sld [smem:$0x3FFC];
	_ =	sdelay $0x3  }
0x96: {  	_ =	strace s5  }
0x97: {  	s5 =	sld [smem:$0x3FFD];
	_ =	sdelay $0x3  }
0x98: {  	_ =	strace s5  }
0x99: {  	_ =	strace $0x8FFFFFFF  }
0x9a: {  	s19 =	sld [smem:$0x3FDB];
	_ =	sdelay $0x1  }
0x9b: {  	s6 =	simm.s32 $_scs_section_size  }
0x9c: {  	s7 =	simm.s32 $_size__tile_overlayer_lowered;
	s8 =	simm.s32 $_tile_overlayer_lowered  }
0x9d: {  	s22 =	simm.s32 $0x1BFF;
	s21 =	sshll.u32 s8, $0x1;
	s5 =	sadd.s32 s6, s19  }
0x9e: {  	s9 =	simm.s32 $0x0;
	s20 =	sshll.u32 s7, $0x1;
	s7 =	sadd.s32 s21, s5  }
0x9f: {  	[timem:s9], [sflag:s22] =	dma.local [hbm:s7], s20  }
0xa0: {  	_ =	swait.ge [sflag:s22], s20  }
0xa1: {  	s6 =	ssub.s32 $0x0, s20;
	[sflag:s22] =	ssyncset.done $0x0  }
0xa2: {  	[sflag:s22] =	ssyncadd.s32 s6;
	_ =	sdelay $0x1  }
0xa3: {  	s23 =	simm.s32 $0x1B8B  }
0xa4: {  	_ =	swait.ge [sflag:s23], $0x1  }
0xa5: {  	[sflag:s23] =	ssyncset.done $0x0  }
0xa6: {  	s25 =	simm.s32 $0x1B8E;
	s24 =	sld [smem:$0x3FFE];
	[sflag:s23] =	ssyncadd.s32 $0xFFFFFFFF  }
0xa7: {  	s26 =	simm.s32 $execute0_lowered;
	[smem:$0x3FD2] =	sst s25  }
0xa8: {  	s7 =	sshll.u32 s26, $0x1;
	_ =	strace $0x80000046;
	[dreg:$0x1] =	wrdreg $0xFFFFFFFF  }
0xa9: {  	s28 =	simm.s32 $_size_execute0_lowered;
	s5 =	sadd.s32 s5, s7;
	[dreg:$0x0] =	wrdreg $0x0  }
0xaa: {  	s7 =	sshll.u32 s28, $0x1;
	[dreg:$0x2] =	wrdreg s5  }
0xab: {  	[dreg:$0x3] =	wrdreg s7  }
0xac: {  	[dreg:$0x4] =	wrdreg $0xC0  }
0xad: {  	_ =	task [dreg:s9], $0x5FFFF  }
0xae: {  	[dreg:$0x1] =	wrdreg $0xFFFFFFFF  }
0xaf: {  	[dreg:$0x0] =	wrdreg $0x60  }
0xb0: {  	[dreg:$0x2] =	wrdreg s2  }
0xb1: {  	[dreg:$0x3] =	wrdreg s18  }
0xb2: {  	[dreg:$0x4] =	wrdreg s24  }
0xb3: {  	[dreg:$0x5] =	wrdreg s4  }
0xb4: {  	[dreg:$0x6] =	wrdreg $0x9  }
0xb5: {  	_ =	task.clear_ibuf [dreg:s9], $0x7FFFF;
	_ =	strace $0x90000046  }
0xb6: {  	s29 =	simm.s32 $0x9;
	_ =	strace $0x80000048  }
0xb7: {  	_ =	swait.ge [sflag:s29], $0x1  }
0xb8: {  	[sflag:s29] =	ssyncadd.s32 $0xFFFFFFFF  }
0xb9: {  	_ =	strace $0x90000048  }
0xba: {  	_ =	sfence  }
0xbb: {  	s30 =	sld [smem:$0x0];
	_ =	sdelay $0x2  }
0xbc: {  	s31 =	sshll.u32 s1, $0xD;
	s1 =	sshrl.u32 s1, $0x2  }
0xbd: {  	s3 =	sand.u32 $0x4000, s31;
	s1 =	sadd.s32 s1, s30  }
0xbe: {  	s0 =	sor.u32 s3, s0;
	s1 =	sshll.u32 s1, $0x11  }
0xbf: {  	s0 =	sor.u32 s1, s0  }
0xc0: {  	s0 =	sadd.s32 $0x8F2B, s0  }
0xc1: {  	[sflag:s0] =	ssyncadd.remote.s32 $0x1  }
0xc2: {  	_ =	sfence.sel $0xFFFF  }
0xc3: {  	[dreg:$0x0] =	wrdreg $0xFFFFFFFF;
	(pc) =	sbr.abs _section_cstart, $3  }
0xc4: {  	[dreg:$0x1] =	wrdreg $0xFFFFFFFF  }
0xc5: {  	_ =	task.clear_ibuf [dreg:s9], $0x2FFFF;
	_ =	strace $0x9FFFFFFF  }
0xc6: {  	(tm) =	ssettm $0x7FFFFFFF  }
0xc7: {  	_ =	shalt  }
tec
execute0_lowered:
.L_overlay_start_1:
0x0: {  	(tag) =	ssettag $0x1  }
0x1: {  	s0 =	rddreg [dreg:$0x0]  }
0x2: {  	s6 =	rddreg [dreg:$0x1]  }
0x3: {  	s1 =	rddreg [dreg:$0x2]  }
0x4: {  	s7 =	rddreg [dreg:$0x3]  }
0x5: {  	s3 =	simm.s32 $0x0;
	s4 =	srdreg.scid;
	s2 =	stileid.u32  }
0x6: {  	s11 =	simm.s32 $0x80;
	s12 =	simm.s32 $0x400;
	s13 =	simm.s32 $0x800  }
0x7: {  	s14 =	simm.s32 $0x600;
	s15 =	simm.s32 $0xA00;
	s16 =	simm.s32 $0x480  }
0x8: {  	s17 =	simm.s32 $0x880;
	s18 =	simm.s32 $0x680;
	s19 =	simm.s32 $0xA80  }
0x9: {  	s20 =	simm.s32 $0x500;
	s21 =	simm.s32 $0x900;
	s22 =	simm.s32 $0x700  }
0xa: {  	s23 =	simm.s32 $0xB00;
	s24 =	simm.s32 $0x580;
	s25 =	simm.s32 $0x980  }
0xb: {  	s28 =	simm.s32 $0xB80;
	s29 =	simm.s32 $0x1;
	s30 =	simm.s32 $0xC00  }
0xc: {  	s31 =	simm.s32 $0x0;
	[smem:$0x7FF] =	sst s3;
	s4 =	sand.u32 $0x1, s4  }
0xd: {  	s8 =	sshll.u32 s2, $0x7;
	_ =	strace $0x80000047;
	s5 =	ssub.s32 $0x2, s4  }
0xe: {  	s9 =	sshll.u32 s4, $0x6;
	s4 =	sadd.s32 $0x7A1200, s1;
	s10 =	sshrl.u32 s5, $0x1  }
0xf: {  	s8 =	sor.u32 s9, s8;
	s9 =	simm.s32 $0x2;
	s26 =	ssub.s32 s5, s10  }
0x10: {  	s5 =	sadd.s32 s0, s8;
	s6 =	sadd.s32 s6, s8;
	s7 =	sadd.s32 s7, s8  }
0x11: {  	s10 =	simm.s32 $0x200;
	s8 =	smax.u32 s26, $0x1;
	s26 =	simm.s32 $0x780  }
.LBB2_1:
0x12: {  	[tilespmem:s3], [sflag:$0x2] =	stream.linear.gather [hbm4b:s5+s3], $0x200, $0x38;
	[tilespmem:$0xE00] =	vst v63  }
0x13: {  	_ =	swait.ge [sflag:s9], $0x200  }
0x14: {  	[sflag:s9] =	ssyncset.done $0x0  }
0x15: {  	[sflag:s9] =	ssyncadd.s32 $0xFFFFFE00  }
0x16: {  	[tilespmem:s10], [sflag:$0x2] =	stream.linear.gather [hbm4b:s6+s3], $0x200, $0x38;
	[tilespmem:$0xE00] =	vst v63  }
0x17: {  	_ =	swait.ge [sflag:s9], $0x200  }
0x18: {  	[sflag:s9] =	ssyncset.done $0x0  }
0x19: {  	v0 =	vimm.f32 $0.0e+00;
	[sflag:s9] =	ssyncadd.s32 $0xFFFFFE00  }
0x1a: {  	[tilespmem:$0xC00] =	vst v0  }
0x1b: {  	[tilespmem:$0xC10] =	vst v0  }
0x1c: {  	[tilespmem:$0xC20] =	vst v0  }
0x1d: {  	[tilespmem:$0xC30] =	vst v0  }
0x1e: {  	[tilespmem:$0xC40] =	vst v0  }
0x1f: {  	[tilespmem:$0xC50] =	vst v0  }
0x20: {  	[tilespmem:$0xC60] =	vst v0  }
0x21: {  	[tilespmem:$0xC70] =	vst v0  }
0x22: {  	[tilespmem:$0xC80] =	vst v0  }
0x23: {  	[tilespmem:$0xC90] =	vst v0  }
0x24: {  	[tilespmem:$0xCA0] =	vst v0  }
0x25: {  	[tilespmem:$0xCB0] =	vst v0  }
0x26: {  	[tilespmem:$0xCC0] =	vst v0  }
0x27: {  	[tilespmem:$0xCD0] =	vst v0  }
0x28: {  	[tilespmem:$0xCE0] =	vst v0  }
0x29: {  	[tilespmem:$0xCF0] =	vst v0  }
0x2a: {  	[tilespmem:$0xD00] =	vst v0  }
0x2b: {  	[tilespmem:$0xD10] =	vst v0  }
0x2c: {  	[tilespmem:$0xD20] =	vst v0  }
0x2d: {  	[tilespmem:$0xD30] =	vst v0  }
0x2e: {  	[tilespmem:$0xD40] =	vst v0  }
0x2f: {  	[tilespmem:$0xD50] =	vst v0  }
0x30: {  	[tilespmem:$0xD60] =	vst v0  }
0x31: {  	[tilespmem:$0xD70] =	vst v0  }
0x32: {  	[tilespmem:$0xD80] =	vst v0  }
0x33: {  	[tilespmem:$0xD90] =	vst v0  }
0x34: {  	[tilespmem:$0xDA0] =	vst v0  }
0x35: {  	[tilespmem:$0xDB0] =	vst v0  }
0x36: {  	[tilespmem:$0xDC0] =	vst v0  }
0x37: {  	[tilespmem:$0xDD0] =	vst v0  }
0x38: {  	[tilespmem:$0xDE0] =	vst v0  }
0x39: {  	s0 =	simm.s32 $0x0;
	[tilespmem:$0xDF0] =	vst v0  }
.LBB2_2:
0x3a: {  	v1 =	vld [tilespmem:$0x0]  }
0x3b: {  	v2 =	vld [tilespmem:$0x200]  }
0x3c: {  	v3 =	vld [tilespmem:$0x10]  }
0x3d: {  	v4 =	vld [tilespmem:$0x210]  }
0x3e: {  	v5 =	vld [tilespmem:$0x20]  }
0x3f: {  	v6 =	vld [tilespmem:$0x220];
	v1 =	vadd.s32 s0, v1  }
0x40: {  	v55 =	vld [tilespmem:$0x30];
	v54 =	vadd.s32 s0, v2;
	[tilespmem:$0x400] =	vst v1  }
0x41: {  	v57 =	vld [tilespmem:$0x230];
	v56 =	vadd.s32 s0, v3;
	[tilespmem:$0x600] =	vst v54  }
0x42: {  	v59 =	vld [tilespmem:$0x40];
	v58 =	vadd.s32 s0, v4;
	[tilespmem:$0x410] =	vst v56  }
0x43: {  	v61 =	vld [tilespmem:$0x240];
	v60 =	vadd.s32 s0, v5;
	[tilespmem:$0x610] =	vst v58  }
0x44: {  	v63 =	vld [tilespmem:$0x50];
	v62 =	vadd.s32 s0, v6;
	[tilespmem:$0x420] =	vst v60  }
0x45: {  	v9 =	vld [tilespmem:$0x250];
	v8 =	vadd.s32 s0, v55;
	[tilespmem:$0x620] =	vst v62  }
0x46: {  	v11 =	vld [tilespmem:$0x60];
	v10 =	vadd.s32 s0, v57;
	[tilespmem:$0x430] =	vst v8  }
0x47: {  	v13 =	vld [tilespmem:$0x260];
	v12 =	vadd.s32 s0, v59;
	[tilespmem:$0x630] =	vst v10  }
0x48: {  	v15 =	vld [tilespmem:$0x70];
	v14 =	vadd.s32 s0, v61;
	[tilespmem:$0x440] =	vst v12  }
0x49: {  	v17 =	vld [tilespmem:$0x270];
	v16 =	vadd.s32 s0, v63;
	[tilespmem:$0x640] =	vst v14  }
0x4a: {  	v19 =	vld [tilespmem:$0x80];
	v18 =	vadd.s32 s0, v9;
	[tilespmem:$0x450] =	vst v16  }
0x4b: {  	v21 =	vld [tilespmem:$0x280];
	v20 =	vadd.s32 s0, v11;
	[tilespmem:$0x650] =	vst v18  }
0x4c: {  	v23 =	vld [tilespmem:$0x90];
	v22 =	vadd.s32 s0, v13;
	[tilespmem:$0x460] =	vst v20  }
0x4d: {  	v25 =	vld [tilespmem:$0x290];
	v24 =	vadd.s32 s0, v15;
	[tilespmem:$0x660] =	vst v22  }
0x4e: {  	v27 =	vld [tilespmem:$0xA0];
	v26 =	vadd.s32 s0, v17;
	[tilespmem:$0x470] =	vst v24  }
0x4f: {  	v29 =	vld [tilespmem:$0x2A0];
	v28 =	vadd.s32 s0, v19;
	[tilespmem:$0x670] =	vst v26  }
0x50: {  	v31 =	vld [tilespmem:$0xB0];
	v30 =	vadd.s32 s0, v21;
	[tilespmem:$0x480] =	vst v28  }
0x51: {  	v33 =	vld [tilespmem:$0x2B0];
	v32 =	vadd.s32 s0, v23;
	[tilespmem:$0x680] =	vst v30  }
0x52: {  	v35 =	vld [tilespmem:$0xC0];
	v34 =	vadd.s32 s0, v25;
	[tilespmem:$0x490] =	vst v32  }
0x53: {  	v37 =	vld [tilespmem:$0x2C0];
	v36 =	vadd.s32 s0, v27;
	[tilespmem:$0x690] =	vst v34  }
0x54: {  	v39 =	vld [tilespmem:$0xD0];
	v38 =	vadd.s32 s0, v29;
	[tilespmem:$0x4A0] =	vst v36  }
0x55: {  	v41 =	vld [tilespmem:$0x2D0];
	v40 =	vadd.s32 s0, v31;
	[tilespmem:$0x6A0] =	vst v38  }
0x56: {  	v43 =	vld [tilespmem:$0xE0];
	v42 =	vadd.s32 s0, v33;
	[tilespmem:$0x4B0] =	vst v40  }
0x57: {  	v45 =	vld [tilespmem:$0x2E0];
	v44 =	vadd.s32 s0, v35;
	[tilespmem:$0x6B0] =	vst v42  }
0x58: {  	v47 =	vld [tilespmem:$0xF0];
	v46 =	vadd.s32 s0, v37;
	[tilespmem:$0x4C0] =	vst v44  }
0x59: {  	v49 =	vld [tilespmem:$0x2F0];
	v48 =	vadd.s32 s0, v39;
	[tilespmem:$0x6C0] =	vst v46  }
0x5a: {  	v51 =	vld [tilespmem:$0x100];
	v50 =	vadd.s32 s0, v41;
	[tilespmem:$0x4D0] =	vst v48  }
0x5b: {  	v53 =	vld [tilespmem:$0x300];
	v52 =	vadd.s32 s0, v43;
	[tilespmem:$0x6D0] =	vst v50  }
0x5c: {  	v55 =	vld [tilespmem:$0x110];
	[tilespmem:$0x4E0] =	vst v52;
	v54 =	vadd.s32 s0, v45  }
0x5d: {  	v57 =	vld [tilespmem:$0x310];
	v56 =	vadd.s32 s0, v47;
	[tilespmem:$0x6E0] =	vst v54  }
0x5e: {  	v59 =	vld [tilespmem:$0x120];
	v58 =	vadd.s32 s0, v49;
	[tilespmem:$0x4F0] =	vst v56  }
0x5f: {  	v61 =	vld [tilespmem:$0x320];
	v60 =	vadd.s32 s0, v51;
	[tilespmem:$0x6F0] =	vst v58  }
0x60: {  	v63 =	vld [tilespmem:$0x130];
	v62 =	vadd.s32 s0, v53;
	[tilespmem:$0x500] =	vst v60  }
0x61: {  	v9 =	vld [tilespmem:$0x330];
	[tilespmem:$0x700] =	vst v62;
	v8 =	vadd.s32 s0, v55  }
0x62: {  	v11 =	vld [tilespmem:$0x140];
	v10 =	vadd.s32 s0, v57;
	[tilespmem:$0x510] =	vst v8  }
0x63: {  	v13 =	vld [tilespmem:$0x340];
	v12 =	vadd.s32 s0, v59;
	[tilespmem:$0x710] =	vst v10  }
0x64: {  	v15 =	vld [tilespmem:$0x150];
	v14 =	vadd.s32 s0, v61;
	[tilespmem:$0x520] =	vst v12  }
0x65: {  	v17 =	vld [tilespmem:$0x350];
	v16 =	vadd.s32 s0, v63;
	[tilespmem:$0x720] =	vst v14  }
0x66: {  	v19 =	vld [tilespmem:$0x160];
	v18 =	vadd.s32 s0, v9;
	[tilespmem:$0x530] =	vst v16  }
0x67: {  	v21 =	vld [tilespmem:$0x360];
	v20 =	vadd.s32 s0, v11;
	[tilespmem:$0x730] =	vst v18  }
0x68: {  	v23 =	vld [tilespmem:$0x170];
	v22 =	vadd.s32 s0, v13;
	[tilespmem:$0x540] =	vst v20  }
0x69: {  	v25 =	vld [tilespmem:$0x370];
	v24 =	vadd.s32 s0, v15;
	[tilespmem:$0x740] =	vst v22  }
0x6a: {  	v27 =	vld [tilespmem:$0x180];
	v26 =	vadd.s32 s0, v17;
	[tilespmem:$0x550] =	vst v24  }
0x6b: {  	v29 =	vld [tilespmem:$0x380];
	v28 =	vadd.s32 s0, v19;
	[tilespmem:$0x750] =	vst v26  }
0x6c: {  	v31 =	vld [tilespmem:$0x190];
	v30 =	vadd.s32 s0, v21;
	[tilespmem:$0x560] =	vst v28  }
0x6d: {  	v33 =	vld [tilespmem:$0x390];
	v32 =	vadd.s32 s0, v23;
	[tilespmem:$0x760] =	vst v30  }
0x6e: {  	v35 =	vld [tilespmem:$0x1A0];
	v34 =	vadd.s32 s0, v25;
	[tilespmem:$0x570] =	vst v32  }
0x6f: {  	v37 =	vld [tilespmem:$0x3A0];
	v36 =	vadd.s32 s0, v27;
	[tilespmem:$0x770] =	vst v34  }
0x70: {  	v39 =	vld [tilespmem:$0x1B0];
	v38 =	vadd.s32 s0, v29;
	[tilespmem:$0x580] =	vst v36  }
0x71: {  	v41 =	vld [tilespmem:$0x3B0];
	v40 =	vadd.s32 s0, v31;
	[tilespmem:$0x780] =	vst v38  }
0x72: {  	v43 =	vld [tilespmem:$0x1C0];
	v42 =	vadd.s32 s0, v33;
	[tilespmem:$0x590] =	vst v40  }
0x73: {  	v45 =	vld [tilespmem:$0x3C0];
	v44 =	vadd.s32 s0, v35;
	[tilespmem:$0x790] =	vst v42  }
0x74: {  	v47 =	vld [tilespmem:$0x1D0];
	v46 =	vadd.s32 s0, v37;
	[tilespmem:$0x5A0] =	vst v44  }
0x75: {  	v49 =	vld [tilespmem:$0x3D0];
	v48 =	vadd.s32 s0, v39;
	[tilespmem:$0x7A0] =	vst v46  }
0x76: {  	v51 =	vld [tilespmem:$0x1E0];
	v50 =	vadd.s32 s0, v41;
	[tilespmem:$0x5B0] =	vst v48  }
0x77: {  	v53 =	vld [tilespmem:$0x3E0];
	v52 =	vadd.s32 s0, v43;
	[tilespmem:$0x7B0] =	vst v50  }
0x78: {  	v55 =	vld [tilespmem:$0x1F0];
	[tilespmem:$0x5C0] =	vst v52;
	v54 =	vadd.s32 s0, v45  }
0x79: {  	v57 =	vld [tilespmem:$0x3F0];
	v56 =	vadd.s32 s0, v47;
	[tilespmem:$0x7C0] =	vst v54  }
0x7a: {  	v58 =	vadd.s32 s0, v49;
	[tilespmem:$0x5D0] =	vst v56  }
0x7b: {  	v59 =	vadd.s32 s0, v51;
	[tilespmem:$0x7D0] =	vst v58  }
0x7c: {  	v60 =	vadd.s32 s0, v53;
	[tilespmem:$0x5E0] =	vst v59  }
0x7d: {  	[tilespmem:$0x7E0] =	vst v60;
	v61 =	vadd.s32 s0, v55  }
0x7e: {  	v62 =	vadd.s32 s0, v57;
	[tilespmem:$0x5F0] =	vst v61  }
0x7f: {  	[tilespmem:$0x7F0] =	vst v62  }
0x80: {  	[tilespmem:s13], [sflag:$0x1] =	stream.indirect.gather [hbm4b:s4+s11], $0x1, s12, s11, $0xb8;
	[tilespmem:$0xE00] =	vst v63  }
0x81: {  	_ = 	snop  }
0x82: {  	[tilespmem:s15], [sflag:$0x1] =	stream.indirect.gather [hbm4b:s1+s11], $0x1, s14, s11, $0xb8;
	[tilespmem:$0xE00] =	vst v63  }
0x83: {  	_ = 	snop  }
0x84: {  	[tilespmem:s17], [sflag:$0x1] =	stream.indirect.gather [hbm4b:s4+s11], $0x1, s16, s11, $0xb8;
	[tilespmem:$0xE00] =	vst v63  }
0x85: {  	_ = 	snop  }
0x86: {  	[tilespmem:s19], [sflag:$0x1] =	stream.indirect.gather [hbm4b:s1+s11], $0x1, s18, s11, $0xb8;
	[tilespmem:$0xE00] =	vst v63  }
0x87: {  	_ = 	snop  }
0x88: {  	[tilespmem:s21], [sflag:$0x1] =	stream.indirect.gather [hbm4b:s4+s11], $0x1, s20, s11, $0xb8;
	[tilespmem:$0xE00] =	vst v63  }
0x89: {  	_ = 	snop  }
0x8a: {  	[tilespmem:s23], [sflag:$0x1] =	stream.indirect.gather [hbm4b:s1+s11], $0x1, s22, s11, $0xb8;
	[tilespmem:$0xE00] =	vst v63  }
0x8b: {  	_ = 	snop  }
0x8c: {  	[tilespmem:s25], [sflag:$0x1] =	stream.indirect.gather [hbm4b:s4+s11], $0x1, s24, s11, $0xb8;
	[tilespmem:$0xE00] =	vst v63  }
0x8d: {  	_ = 	snop  }
0x8e: {  	[tilespmem:s28], [sflag:$0x1] =	stream.indirect.gather [hbm4b:s1+s11], $0x1, s26, s11, $0xb8;
	[tilespmem:$0xE00] =	vst v63  }
0x8f: {  	_ =	swait.ge [sflag:s29], $0x80  }
0x90: {  	[sflag:s29] =	ssyncset.done $0x0  }
0x91: {  	[sflag:s29] =	ssyncadd.s32 $0xFFFFFF80  }
0x92: {  	_ =	swait.ge [sflag:s29], $0x80  }
0x93: {  	[sflag:s29] =	ssyncset.done $0x0  }
0x94: {  	[sflag:s29] =	ssyncadd.s32 $0xFFFFFF80  }
0x95: {  	_ =	swait.ge [sflag:s29], $0x80  }
0x96: {  	[sflag:s29] =	ssyncset.done $0x0  }
0x97: {  	[sflag:s29] =	ssyncadd.s32 $0xFFFFFF80  }
0x98: {  	_ =	swait.ge [sflag:s29], $0x80  }
0x99: {  	[sflag:s29] =	ssyncset.done $0x0  }
0x9a: {  	[sflag:s29] =	ssyncadd.s32 $0xFFFFFF80  }
0x9b: {  	_ =	swait.ge [sflag:s29], $0x80  }
0x9c: {  	[sflag:s29] =	ssyncset.done $0x0  }
0x9d: {  	[sflag:s29] =	ssyncadd.s32 $0xFFFFFF80  }
0x9e: {  	_ =	swait.ge [sflag:s29], $0x80  }
0x9f: {  	[sflag:s29] =	ssyncset.done $0x0  }
0xa0: {  	[sflag:s29] =	ssyncadd.s32 $0xFFFFFF80  }
0xa1: {  	_ =	swait.ge [sflag:s29], $0x80  }
0xa2: {  	[sflag:s29] =	ssyncset.done $0x0  }
0xa3: {  	[sflag:s29] =	ssyncadd.s32 $0xFFFFFF80  }
0xa4: {  	_ =	swait.ge [sflag:s29], $0x80  }
0xa5: {  	[sflag:s29] =	ssyncset.done $0x0  }
0xa6: {  	[sflag:s29] =	ssyncadd.s32 $0xFFFFFF80  }
0xa7: {  	v1 =	vld [tilespmem:$0xC00]  }
0xa8: {  	v2 =	vld [tilespmem:$0x800]  }
0xa9: {  	v3 =	vld [tilespmem:$0xA00]  }
0xaa: {  	v4 =	vld [tilespmem:$0xC10]  }
0xab: {  	v5 =	vld [tilespmem:$0x810]  }
0xac: {  	v6 =	vld [tilespmem:$0xA10]  }
0xad: {  	v7 =	vld [tilespmem:$0xC20]  }
0xae: {  	v8 =	vld [tilespmem:$0x820]  }
0xaf: {  	v9 =	vld [tilespmem:$0xA20]  }
0xb0: {  	v10 =	vld [tilespmem:$0xC30]  }
0xb1: {  	v11 =	vld [tilespmem:$0x830]  }
0xb2: {  	v12 =	vld [tilespmem:$0xA30]  }
0xb3: {  	v13 =	vld [tilespmem:$0xC40]  }
0xb4: {  	v14 =	vld [tilespmem:$0x840]  }
0xb5: {  	v15 =	vld [tilespmem:$0xA40]  }
0xb6: {  	v16 =	vld [tilespmem:$0xC50]  }
0xb7: {  	v17 =	vld [tilespmem:$0x850]  }
0xb8: {  	v18 =	vld [tilespmem:$0xA50]  }
0xb9: {  	v19 =	vld [tilespmem:$0xC60]  }
0xba: {  	v20 =	vld [tilespmem:$0x860]  }
0xbb: {  	v21 =	vld [tilespmem:$0xA60]  }
0xbc: {  	v22 =	vld [tilespmem:$0xC70]  }
0xbd: {  	v23 =	vld [tilespmem:$0x870]  }
0xbe: {  	v24 =	vld [tilespmem:$0xA70]  }
0xbf: {  	v25 =	vld [tilespmem:$0xC80]  }
0xc0: {  	v26 =	vld [tilespmem:$0x880]  }
0xc1: {  	v27 =	vld [tilespmem:$0xA80]  }
0xc2: {  	v28 =	vld [tilespmem:$0xC90]  }
0xc3: {  	v29 =	vld [tilespmem:$0x890]  }
0xc4: {  	v30 =	vld [tilespmem:$0xA90]  }
0xc5: {  	v31 =	vld [tilespmem:$0xCA0]  }
0xc6: {  	v32 =	vld [tilespmem:$0x8A0]  }
0xc7: {  	v33 =	vld [tilespmem:$0xAA0]  }
0xc8: {  	v34 =	vld [tilespmem:$0xCB0]  }
0xc9: {  	v35 =	vld [tilespmem:$0x8B0]  }
0xca: {  	v36 =	vld [tilespmem:$0xAB0]  }
0xcb: {  	v37 =	vld [tilespmem:$0xCC0]  }
0xcc: {  	v38 =	vld [tilespmem:$0x8C0]  }
0xcd: {  	v39 =	vld [tilespmem:$0xAC0]  }
0xce: {  	v40 =	vld [tilespmem:$0xCD0]  }
0xcf: {  	v41 =	vld [tilespmem:$0x8D0]  }
0xd0: {  	v42 =	vld [tilespmem:$0xAD0]  }
0xd1: {  	v46 =	vld [tilespmem:$0xCE0]  }
0xd2: {  	v44 =	vld [tilespmem:$0x8E0]  }
0xd3: {  	v45 =	vld [tilespmem:$0xAE0]  }
0xd4: {  	v49 =	vld [tilespmem:$0xCF0]  }
0xd5: {  	v47 =	vld [tilespmem:$0x8F0]  }
0xd6: {  	v48 =	vld [tilespmem:$0xAF0]  }
0xd7: {  	v52 =	vld [tilespmem:$0xD00]  }
0xd8: {  	v50 =	vld [tilespmem:$0x900]  }
0xd9: {  	v51 =	vld [tilespmem:$0xB00]  }
0xda: {  	v55 =	vld [tilespmem:$0xD10]  }
0xdb: {  	v53 =	vld [tilespmem:$0x910]  }
0xdc: {  	v54 =	vld [tilespmem:$0xB10]  }
0xdd: {  	v58 =	vld [tilespmem:$0xD20]  }
0xde: {  	v56 =	vld [tilespmem:$0x920]  }
0xdf: {  	v57 =	vld [tilespmem:$0xB20]  }
0xe0: {  	v0 =	vld [tilespmem:$0xD30]  }
0xe1: {  	v59 =	vld [tilespmem:$0x930]  }
0xe2: {  	v63 =	vld [tilespmem:$0xD40]  }
0xe3: {  	v43 =	vld [tilespmem:$0xD50]  }
0xe4: {  	v60 =	vld [tilespmem:$0xB30]  }
0xe5: {  	v62 =	vld [tilespmem:$0x940]  }
0xe6: {  	v61 =	vld [tilespmem:$0xD60]  }
0xe7: {  	[tilespmem:$0x1FFD0] =	vst v63;
	v63 =	vld [tilespmem:$0xB40]  }
0xe8: {  	[tilespmem:$0x1FFE0] =	vst v43;
	v43 =	vld [tilespmem:$0x950]  }
0xe9: {  	[tilespmem:$0x1FFC0] =	vst v0;
	v0 =	vld [tilespmem:$0xB50]  }
0xea: {  	v2 =	vmul.f32 v3, v2;
	v3 =	vld [tilespmem:$0x960]  }
0xeb: {  	v5 =	vmul.f32 v6, v5;
	v6 =	vld [tilespmem:$0xB60]  }
0xec: {  	[tilespmem:$0x1FFF0] =	vst v61;
	v61 =	vmul.f32 v12, v11;
	v11 =	vld [tilespmem:$0x980]  }
0xed: {  	v14 =	vmul.f32 v15, v14;
	v1 =	vadd.f32 v2, v1;
	v2 =	vmul.f32 v9, v8;
	v8 =	vld [tilespmem:$0xD70]  }
0xee: {  	v9 =	vld [tilespmem:$0x970]  }
0xef: {  	v17 =	vmul.f32 v18, v17;
	v18 =	vadd.f32 v14, v13;
	v13 =	vld [tilespmem:$0xD90]  }
0xf0: {  	v14 =	vld [tilespmem:$0x990]  }
0xf1: {  	v20 =	vmul.f32 v21, v20;
	v4 =	vadd.f32 v5, v4;
	v21 =	vadd.f32 v17, v16;
	v16 =	vld [tilespmem:$0xDA0]  }
0xf2: {  	v15 =	vadd.f32 v61, v10;
	v17 =	vld [tilespmem:$0x9A0];
	[tilespmem:$0xC00] =	vst v1  }
0xf3: {  	v23 =	vmul.f32 v24, v23;
	v24 =	vadd.f32 v20, v19;
	v19 =	vld [tilespmem:$0xDB0];
	[tilespmem:$0xC10] =	vst v4  }
0xf4: {  	v20 =	vld [tilespmem:$0x9B0];
	[tilespmem:$0xC30] =	vst v15  }
0xf5: {  	v26 =	vmul.f32 v27, v26;
	v35 =	vmul.f32 v36, v35;
	v27 =	vadd.f32 v23, v22;
	v22 =	vld [tilespmem:$0xDC0];
	[tilespmem:$0xC40] =	vst v18  }
0xf6: {  	v29 =	vmul.f32 v30, v29;
	v32 =	vmul.f32 v33, v32;
	v61 =	vld [tilespmem:$0x9C0];
	[tilespmem:$0xC50] =	vst v21  }
0xf7: {  	v38 =	vmul.f32 v39, v38;
	v30 =	vadd.f32 v26, v25;
	v39 =	vadd.f32 v35, v34;
	v34 =	vld [tilespmem:$0x1FFC0];
	[tilespmem:$0xC60] =	vst v24  }
0xf8: {  	v41 =	vmul.f32 v42, v41;
	v33 =	vadd.f32 v29, v28;
	v35 =	vld [tilespmem:$0x9D0];
	[tilespmem:$0xC70] =	vst v27  }
0xf9: {  	v44 =	vmul.f32 v45, v44;
	v36 =	vadd.f32 v32, v31;
	v42 =	vadd.f32 v38, v37;
	v38 =	vld [tilespmem:$0xBD0];
	[tilespmem:$0xC80] =	vst v30  }
0xfa: {  	v47 =	vmul.f32 v48, v47;
	v45 =	vadd.f32 v41, v40;
	v41 =	vld [tilespmem:$0x9E0];
	[tilespmem:$0xC90] =	vst v33  }
0xfb: {  	v53 =	vmul.f32 v54, v53;
	v48 =	vadd.f32 v44, v46;
	v44 =	vld [tilespmem:$0xBE0];
	[tilespmem:$0xCA0] =	vst v36  }
0xfc: {  	v50 =	vmul.f32 v51, v50;
	v51 =	vadd.f32 v47, v49;
	v47 =	vld [tilespmem:$0x9F0];
	[tilespmem:$0xCB0] =	vst v39  }
0xfd: {  	v28 =	vadd.f32 v53, v55;
	v53 =	vld [tilespmem:$0xDE0];
	[tilespmem:$0xCC0] =	vst v42  }
0xfe: {  	v12 =	vadd.f32 v2, v7;
	v7 =	vld [tilespmem:$0xB70];
	[tilespmem:$0xCD0] =	vst v45  }
0xff: {  	v57 =	vmul.f32 v57, v56;
	v54 =	vadd.f32 v50, v52;
	[tilespmem:$0xCE0] =	vst v48;
	v36 =	vld [tilespmem:$0x1FFD0]  }
0x100: {  	[tilespmem:$0xCF0] =	vst v51;
	v39 =	vld [tilespmem:$0x1FFE0]  }
0x101: {  	v29 =	vmul.f32 v60, v59;
	v31 =	vadd.f32 v57, v58;
	[tilespmem:$0xD00] =	vst v54;
	v33 =	vld [tilespmem:$0xDD0]  }
0x102: {  	v15 =	vld [tilespmem:$0xB90];
	[tilespmem:$0xD10] =	vst v28;
	v32 =	vmul.f32 v63, v62  }
0x103: {  	[tilespmem:$0xD20] =	vst v31;
	v42 =	vld [tilespmem:$0x1FFF0];
	v0 =	vmul.f32 v0, v43;
	v4 =	vadd.f32 v29, v34  }
0x104: {  	v18 =	vld [tilespmem:$0xBA0];
	v37 =	vmul.f32 v6, v3;
	[tilespmem:$0xC20] =	vst v12;
	v3 =	vmul.f32 v38, v35;
	v1 =	vadd.f32 v32, v36  }
0x105: {  	v21 =	vld [tilespmem:$0xBB0];
	v59 =	vmul.f32 v44, v41;
	[tilespmem:$0xD30] =	vst v4;
	v0 =	vadd.f32 v0, v39  }
0x106: {  	v30 =	vld [tilespmem:$0xBC0];
	v60 =	vadd.f32 v3, v33;
	[tilespmem:$0xD40] =	vst v1  }
0x107: {  	v50 =	vld [tilespmem:$0xBF0];
	v40 =	vmul.f32 v7, v9;
	v62 =	vadd.f32 v59, v53;
	[tilespmem:$0xD50] =	vst v0  }
0x108: {  	v12 =	vld [tilespmem:$0xB80];
	v46 =	vmul.f32 v15, v14;
	v1 =	vadd.f32 v37, v42;
	[tilespmem:$0xDD0] =	vst v60  }
0x109: {  	v56 =	vld [tilespmem:$0xDF0];
	v49 =	vmul.f32 v18, v17;
	v45 =	vadd.f32 v40, v8;
	[tilespmem:$0xDE0] =	vst v62  }
0x10a: {  	v10 =	vld [tilespmem:$0xD80];
	v52 =	vmul.f32 v21, v20;
	v51 =	vadd.f32 v46, v13;
	[tilespmem:$0xD60] =	vst v1  }
0x10b: {  	v55 =	vmul.f32 v30, v61;
	v54 =	vadd.f32 v49, v16;
	[tilespmem:$0xD70] =	vst v45  }
0x10c: {  	p0 =	sne.s32 s0, $0x3C14DC0;
	v61 =	vmul.f32 v50, v47;
	v57 =	vadd.f32 v52, v19;
	[tilespmem:$0xD90] =	vst v51  }
.Ltmp0:
0x10d: {  	v43 =	vmul.f32 v12, v11;
	v58 =	vadd.f32 v55, v22;
	[tilespmem:$0xDA0] =	vst v54;
	(pc) =	sbr.rel @p0 .LBB2_2-.Ltmp0, $4  }
0x10e: {  	v63 =	vadd.f32 v61, v56;
	[tilespmem:$0xDB0] =	vst v57  }
0x10f: {  	v48 =	vadd.f32 v43, v10;
	[tilespmem:$0xDC0] =	vst v58  }
0x110: {  	[tilespmem:$0xDF0] =	vst v63  }
0x111: {  	s0 =	sadd.s32 $0xF4240, s0;
	[tilespmem:$0xD80] =	vst v48  }
0x112: {  	s31 =	sadd.s32 $0x1, s31  }
0x113: {  	p0 =	sne.s32 s31, s8  }
.Ltmp1:
0x114: {  	_ = 	snop;
	(pc) =	sbr.rel @p0 .LBB2_1-.Ltmp1, $4  }
0x115: {  	[hbm4b:s7+s3] =	stream.linear.scatter [tilespmem:s30], [sflag:$0x2], $0x200, $0x38;
	[tilespmem:$0xE00] =	vst v63  }
0x116: {  	_ =	swait.ge [sflag:s9], $0x200  }
0x117: {  	[sflag:s9] =	ssyncset.done $0x0  }
0x118: {  	[sflag:s9] =	ssyncadd.s32 $0xFFFFFE00  }
0x119: {  	_ =	sfence.sel $0x180000  }
0x11a: {  	[bflag:$0x0] =	sbarrier.arrive $0xFFFF  }
0x11b: {  	_ =	strace $0x90000047  }
0x11c: {  	[bflag:$0x2] =	sbarrier.arrive $0xFFFF  }
0x11d: {  	p0 =	sne.s32 s2, $0x0;
	s0 =	rddreg [dreg:$0x4]  }
0x11e: {  	s0 =	sadd.s32 @!p0 $0x100000, s0  }
0x11f: {  	[sflag:s0] =	ssyncadd.tile.s32 @!p0 $0x1;
	_ =	shalt  }
.Lfunc_end2:
_tile_overlayer_lowered:
.L_overlay_start_2:
0x120: {  	(tag) =	ssettag $0x2  }
0x121: {  	s0 =	rddreg [dreg:$0x0];
	s2 =	stileid.u32  }
0x122: {  	s1 =	rddreg [dreg:$0x1];
	p0 =	sne.s32 s2, $0x0  }
0x123: {  	s3 =	rddreg [dreg:$0x2];
	[bflag:$0x3] =	sbarrier.arrive $0xFFFF;
	s2 =	simm.s32 @!p0 $0x1C02  }
0x124: {  	[timem:s3], [sflag:s2] =	dma.local @!p0 [hbm:s0], s1  }
0x125: {  	s0 =	simm.s32 @!p0 $0x2  }
0x126: {  	_ =	swait.ge @!p0 [sflag:s0], s1  }
0x127: {  	s1 =	ssub.s32 @!p0 $0x0, s1;
	[sflag:s0] =	ssyncset.done @!p0 $0x0  }
0x128: {  	[sflag:s0] =	ssyncadd.s32 @!p0 s1  }
0x129: {  	[bflag:$0x3] =	sbarrier.arrive $0xFFFF  }
0x12a: {  	_ =	shalt  }

</sc_bundles>
